<compile_context>
chip_gen: v7x
topology: tpu7x:2x2x1
jax: 0.10.2.dev20260603
libtpu: 0.0.44.dev20260713+nightly
codegen_flags: <defaults>
</compile_context>

<pallas_src>
import functools

import jax
import jax.numpy as jnp
from jax import lax
from jax.experimental import pallas as pl
from jax.experimental.pallas import tpu as pltpu
from jax.experimental.pallas import tpu_sc as plsc

N, D = 8192, 768
H1, H2, E = 2048, 2048, 256
K = 8192
BETA = 0.25

BN = 512
NB = N // BN
BNE = 1024
NBE = N // BNE

BF = jnp.bfloat16
F32 = jnp.float32


def _mm_t(a, b):
    return lax.dot_general(a.astype(BF), b.astype(BF), (((1,), (1,)), ((), ())),
                           preferred_element_type=F32)


def _enc_body(x_ref, We1_ref, be1_ref, We2_ref, be2_ref, We3_ref, be3_ref,
              z_ref):
    h = jnp.maximum(_mm_t(x_ref[...], We1_ref[...]) + be1_ref[...], 0.0)
    h = jnp.maximum(_mm_t(h, We2_ref[...]) + be2_ref[...], 0.0)
    z_ref[...] = _mm_t(h, We3_ref[...]) + be3_ref[...]


def _encoder(x, We1, be1, We2, be2, We3, be3):
    full = lambda s: pl.BlockSpec(s, lambda i: (0,) * len(s))
    return pl.pallas_call(
        _enc_body,
        grid=(NBE,),
        in_specs=[
            pl.BlockSpec((BNE, D), lambda i: (i, 0)),
            full((H1, D)), full((1, H1)),
            full((H2, H1)), full((1, H2)),
            full((E, H2)), full((1, E)),
        ],
        out_specs=pl.BlockSpec((BNE, E), lambda i: (i, 0)),
        out_shape=jax.ShapeDtypeStruct((N, E), F32),
    )(x.astype(BF), We1.astype(BF), be1.reshape(1, H1), We2.astype(BF),
      be2.reshape(1, H2), We3.astype(BF), be3.reshape(1, E))


def _vq_body(z_ref, embbf_ref, embf_ref, idx_ref, gidx_ref, fpos_ref,
             dsum_ref, en_ref):
    @pl.when(pl.program_id(0) == 0)
    def _():
        emb = embf_ref[...]
        en_ref[...] = lax.dot_general(
            jnp.ones((1, E), F32), emb * emb, (((1,), (1,)), ((), ())),
            preferred_element_type=F32, precision=lax.Precision.HIGHEST)

    z = z_ref[...]
    embbf = embbf_ref[...]
    scores = lax.dot_general(z.astype(BF), embbf, (((1,), (1,)), ((), ())),
                             preferred_element_type=F32)
    znorm = jnp.sum(z * z, axis=1, keepdims=True)
    d = znorm - 2.0 * scores + en_ref[...]
    dmin = jnp.min(d, axis=1, keepdims=True)
    iota = lax.broadcasted_iota(jnp.int32, d.shape, 1)
    idx = jnp.min(jnp.where(d <= dmin, iota, K), axis=1)
    idx_ref[0, 0, :] = idx
    riot = lax.broadcasted_iota(jnp.int32, (BN, BN), 1)
    eqm = idx[:, None] == idx[None, :]
    fpos = jnp.min(jnp.where(eqm, riot, BN), axis=1)
    rows = lax.broadcasted_iota(jnp.int32, (BN,), 0)
    grow = pl.program_id(0) * BN + rows
    gidx = jnp.where(fpos == rows, idx, grow)
    gidx_ref[0, 0, :] = gidx
    fpos_ref[0, 0, :] = fpos
    dsum_ref[0, 0, :] = jnp.broadcast_to(jnp.sum(dmin), (128,))


def _vq(z_e, emb_bf, embedding):
    n = z_e.shape[0]
    nb = n // BN
    idx3, gidx3, fpos3, dsum = pl.pallas_call(
        _vq_body,
        grid=(nb,),
        in_specs=[
            pl.BlockSpec((BN, E), lambda i: (i, 0)),
            pl.BlockSpec((K, E), lambda i: (0, 0)),
            pl.BlockSpec((K, E), lambda i: (0, 0)),
        ],
        out_specs=[
            pl.BlockSpec((1, 1, BN), lambda i: (i, 0, 0)),
            pl.BlockSpec((1, 1, BN), lambda i: (i, 0, 0)),
            pl.BlockSpec((1, 1, BN), lambda i: (i, 0, 0)),
            pl.BlockSpec((1, 1, 128), lambda i: (i, 0, 0)),
        ],
        out_shape=[
            jax.ShapeDtypeStruct((nb, 1, BN), jnp.int32),
            jax.ShapeDtypeStruct((nb, 1, BN), jnp.int32),
            jax.ShapeDtypeStruct((nb, 1, BN), jnp.int32),
            jax.ShapeDtypeStruct((nb, 1, 128), F32),
        ],
        scratch_shapes=[pltpu.VMEM((1, K), F32)],
    )(z_e, emb_bf, embedding)
    return idx3.reshape(n), gidx3.reshape(n), fpos3, dsum


def _sc_gather(table, idx):
    info = plsc.get_sparse_core_info()
    n = idx.shape[0]
    nw = info.num_cores * info.num_subcores
    b_per_w = n // nw
    c = 128
    n_chunks = b_per_w // c
    mesh = plsc.VectorSubcoreMesh(core_axis_name="c", subcore_axis_name="s")

    @functools.partial(
        pl.kernel, mesh=mesh,
        out_type=jax.ShapeDtypeStruct((n, E), F32),
        scratch_types=[
            pltpu.VMEM((n_chunks, c), jnp.int32),
            pltpu.VMEM((b_per_w, E), F32),
            pltpu.SemaphoreType.DMA,
        ],
    )
    def k(table_hbm, idx_hbm, out_hbm, idx_v, rows_v, sem):
        wid = lax.axis_index("s") * info.num_cores + lax.axis_index("c")
        base = wid * b_per_w
        pltpu.sync_copy(idx_hbm.at[wid], idx_v)
        copies = [
            pltpu.async_copy(table_hbm.at[idx_v.at[j]],
                             rows_v.at[pl.ds(j * c, c)], sem)
            for j in range(n_chunks)
        ]
        for cp in copies:
            cp.wait()
        pltpu.sync_copy(rows_v, out_hbm.at[pl.ds(base, b_per_w)])

    return k(table, idx.reshape(nw, n_chunks, c))


def _dec_body(q_ref, fpos_ref, x_ref, Wd1_ref, bd1_ref, Wd2_ref, bd2_ref,
              Wd3_ref, bd3_ref, recon_ref, rsum_ref):
    fpos = fpos_ref[0, 0, :]
    lio = lax.broadcasted_iota(jnp.int32, (BN, BN), 1)
    lonehot = (fpos[:, None] == lio).astype(BF)
    qbf = lax.dot_general(lonehot, q_ref[...].astype(BF),
                          (((1,), (0,)), ((), ())),
                          preferred_element_type=F32).astype(BF)
    h = jnp.maximum(_mm_t(qbf, Wd1_ref[...]) + bd1_ref[...], 0.0)
    h = jnp.maximum(_mm_t(h, Wd2_ref[...]) + bd2_ref[...], 0.0)
    recon = _mm_t(h, Wd3_ref[...]) + bd3_ref[...]
    recon_ref[...] = recon
    dr = recon - x_ref[...]
    rsum_ref[0, 0, :] = jnp.broadcast_to(jnp.sum(dr * dr), (128,))


def _decoder(q_gathered, fpos3, x, Wd1, bd1, Wd2, bd2, Wd3, bd3):
    full = lambda s: pl.BlockSpec(s, lambda i: (0,) * len(s))
    return pl.pallas_call(
        _dec_body,
        grid=(NB,),
        in_specs=[
            pl.BlockSpec((BN, E), lambda i: (i, 0)),
            pl.BlockSpec((1, 1, BN), lambda i: (i, 0, 0)),
            pl.BlockSpec((BN, D), lambda i: (i, 0)),
            full((H2, E)), full((1, H2)),
            full((H1, H2)), full((1, H1)),
            full((D, H1)), full((1, D)),
        ],
        out_specs=[
            pl.BlockSpec((BN, D), lambda i: (i, 0)),
            pl.BlockSpec((1, 1, 128), lambda i: (i, 0, 0)),
        ],
        out_shape=[
            jax.ShapeDtypeStruct((N, D), F32),
            jax.ShapeDtypeStruct((NB, 1, 128), F32),
        ],
    )(q_gathered, fpos3, x, Wd1.astype(BF), bd1.reshape(1, H2),
      Wd2.astype(BF), bd2.reshape(1, H1), Wd3.astype(BF), bd3.reshape(1, D))


def kernel(x, We1, be1, We2, be2, We3, be3, Wd1, bd1, Wd2, bd2, Wd3, bd3,
           embedding):
    z_e = _encoder(x, We1, be1, We2, be2, We3, be3)
    indices, gidx, fpos3, dsum = _vq(z_e, embedding.astype(BF), embedding)
    q_gathered = _sc_gather(embedding, gidx)
    recon, rsum = _decoder(q_gathered, fpos3, x, Wd1, bd1, Wd2, bd2, Wd3, bd3)
    recon_loss = jnp.sum(rsum[:, 0, 0]) / (N * D)
    commitment_loss = BETA * (jnp.sum(dsum[:, 0, 0]) / (N * E))
    loss = recon_loss + commitment_loss
    return loss, recon_loss, indices, recon

# --- scband reference (transcript-rebuilt; emitter-appended) ---
"""Pipeline reference for scband-mlpvqvae-23295902613870 (READ-ONLY COPY).

The authoritative reference and input builder live on the scoring server;
editing this copy changes nothing except your own understanding.
"""

import jax, jax.numpy as jnp
import numpy as np

N, D = 8192, 768
H1, H2, E = 2048, 2048, 256
K = 8192
BETA = 0.25


def setup_inputs(seed: int = 0) -> dict:
    key = jax.random.key(seed)
    ks = jax.random.split(key, 16)

    def w(k, shape, scale=0.02):
        return jax.random.normal(k, shape, dtype=jnp.float32) * scale

    inp = {}
    inp["x"] = jax.random.normal(ks[0], (N, D), dtype=jnp.float32)
    # encoder: Linear(D->H1), ReLU, Linear(H1->H2), ReLU, Linear(H2->E)
    inp["We1"] = w(ks[1], (H1, D)); inp["be1"] = jnp.zeros((H1,), jnp.float32)
    inp["We2"] = w(ks[2], (H2, H1)); inp["be2"] = jnp.zeros((H2,), jnp.float32)
    inp["We3"] = w(ks[3], (E, H2));  inp["be3"] = jnp.zeros((E,), jnp.float32)
    # decoder: Linear(E->H2), ReLU, Linear(H2->H1), ReLU, Linear(H1->D)
    inp["Wd1"] = w(ks[4], (H2, E));  inp["bd1"] = jnp.zeros((H2,), jnp.float32)
    inp["Wd2"] = w(ks[5], (H1, H2)); inp["bd2"] = jnp.zeros((H1,), jnp.float32)
    inp["Wd3"] = w(ks[6], (D, H1));  inp["bd3"] = jnp.zeros((D,), jnp.float32)
    # EMA codebook buffer (assumed already initialized, eval-mode forward)
    inp["embedding"] = jax.random.normal(ks[7], (K, E), dtype=jnp.float32)
    return inp


def reference(x, We1, be1, We2, be2, We3, be3, Wd1, bd1, Wd2, bd2, Wd3, bd3, embedding):
    # encoder
    h = jax.nn.relu(x @ We1.T + be1)
    h = jax.nn.relu(h @ We2.T + be2)
    z_e = h @ We3.T + be3
    # vector quantization: nearest codebook entry by squared L2 distance
    z_flat = z_e.reshape(-1, embedding.shape[1])
    distances = (jnp.sum(z_flat ** 2, axis=1, keepdims=True)
                 - 2.0 * z_flat @ embedding.T
                 + jnp.sum(embedding ** 2, axis=1)[None, :])
    indices = jnp.argmin(distances, axis=1)
    quantized = jnp.take(embedding, indices, axis=0).reshape(z_e.shape)
    # straight-through estimator
    z_q = z_e + jax.lax.stop_gradient(quantized - z_e)
    # decoder
    hd = jax.nn.relu(z_q @ Wd1.T + bd1)
    hd = jax.nn.relu(hd @ Wd2.T + bd2)
    recon = hd @ Wd3.T + bd3
    # losses
    commitment_loss = BETA * jnp.mean((z_e - jax.lax.stop_gradient(z_q)) ** 2)
    recon_loss = jnp.mean((recon - x) ** 2)
    loss = recon_loss + commitment_loss
    return (loss, jax.lax.stop_gradient(recon_loss), indices.reshape(x.shape[:-1]), recon)

if __name__ == "__main__":
    import jax
    _d = setup_inputs()
    print(jax.jit(kernel)(*tuple(_d.values())))

</pallas_src>

<mosaic_0001>
#map = affine_map<(d0, d1) -> (0, 0)>
#map1 = affine_map<(d0, d1) -> (0, 0, 0)>
module attributes {stable_mosaic.version = 14 : i64} {
  func.func @k(%arg0: i32, %arg1: i32, %arg2: memref<8192x256xf32, #tpu.memory_space<hbm>>, %arg3: memref<32x2x128xi32, #tpu.memory_space<hbm>>, %arg4: memref<8192x256xf32, #tpu.memory_space<hbm>>, %arg5: memref<2x128xi32, #tpu.memory_space<vmem>>, %arg6: memref<256x256xf32, #tpu.memory_space<vmem>>, %arg7: memref<!tpu.dma_semaphore, #tpu.memory_space<semaphore_mem>>) attributes {dimension_semantics = [#tpu.dimension_semantics<core_parallel>, #tpu.dimension_semantics<subcore_parallel>], iteration_bounds = array<i64: 2, 16>, scalar_prefetch = 0 : i64, scratch_operands = 3 : i64, tpu.core_type = #tpu.core_type<sc_vector_subcore>, window_params = [{transform_indices = #map}, {transform_indices = #map1}, {transform_indices = #map}]} {
    %mul3A = arith.constant 2 : i32
    %mul3A_0 = arith.muli %arg1, %mul3A : i32
    %add3A = arith.addi %mul3A_0, %arg0 : i32
    %mul3A_1 = arith.constant 256 : i32
    %mul3A_2 = arith.muli %add3A, %mul3A_1 : i32
    "tpu.region"() ({
      %run_scoped3A = tpu.sem_alloc : memref<!tpu.dma_semaphore, #tpu.memory_space<semaphore_mem>>
      %dma_start3A_41 = arith.constant 0 : i32
      %dma_start3A_42 = arith.constant 0 : i32
      %dma_start3A_43 = tpu.memref_slice %arg3[%add3A, %dma_start3A_41, %dma_start3A_42] : memref<32x2x128xi32, #tpu.memory_space<hbm>> -> memref<1x2x128xi32, #tpu.memory_space<hbm>>
      %dma_start3A_44 = tpu.memref_squeeze %dma_start3A_43 : memref<1x2x128xi32, #tpu.memory_space<hbm>> -> memref<2x128xi32, #tpu.memory_space<hbm>>
      %dma_start3A_45 = arith.constant 0 : i32
      %dma_start3A_46 = arith.constant 0 : i32
      %dma_start3A_47 = tpu.memref_slice %arg3[%add3A, %dma_start3A_45, %dma_start3A_46] : memref<32x2x128xi32, #tpu.memory_space<hbm>> -> memref<1x2x128xi32, #tpu.memory_space<hbm>>
      %dma_start3A_48 = tpu.memref_squeeze %dma_start3A_47 : memref<1x2x128xi32, #tpu.memory_space<hbm>> -> memref<2x128xi32, #tpu.memory_space<hbm>>
      tpu.enqueue_dma source(%dma_start3A_48 : memref<2x128xi32, #tpu.memory_space<hbm>>) target(%arg5 : memref<2x128xi32, #tpu.memory_space<vmem>>) target_semaphore(%run_scoped3A : memref<!tpu.dma_semaphore, #tpu.memory_space<semaphore_mem>>)
      %dma_wait3A_49 = arith.constant 0 : i32
      %dma_wait3A_50 = arith.constant 0 : i32
      %dma_wait3A_51 = tpu.memref_slice %arg3[%add3A, %dma_wait3A_49, %dma_wait3A_50] : memref<32x2x128xi32, #tpu.memory_space<hbm>> -> memref<1x2x128xi32, #tpu.memory_space<hbm>>
      %dma_wait3A_52 = tpu.memref_squeeze %dma_wait3A_51 : memref<1x2x128xi32, #tpu.memory_space<hbm>> -> memref<2x128xi32, #tpu.memory_space<hbm>>
      %dma_wait3A_53 = arith.constant 0 : i32
      %dma_wait3A_54 = arith.constant 0 : i32
      %dma_wait3A_55 = tpu.memref_slice %arg3[%add3A, %dma_wait3A_53, %dma_wait3A_54] : memref<32x2x128xi32, #tpu.memory_space<hbm>> -> memref<1x2x128xi32, #tpu.memory_space<hbm>>
      %dma_wait3A_56 = tpu.memref_squeeze %dma_wait3A_55 : memref<1x2x128xi32, #tpu.memory_space<hbm>> -> memref<2x128xi32, #tpu.memory_space<hbm>>
      tpu.wait_dma2 semaphore(%run_scoped3A : memref<!tpu.dma_semaphore, #tpu.memory_space<semaphore_mem>>) src(%dma_wait3A_56 : memref<2x128xi32, #tpu.memory_space<hbm>>) dst(%arg5 : memref<2x128xi32, #tpu.memory_space<vmem>>)
      tpu.yield
    }) : () -> ()
    %dma_start3A = arith.constant 0 : i32
    %dma_start3A_3 = arith.constant 0 : i32
    %dma_start3A_4 = arith.constant 0 : i32
    %dma_start3A_5 = tpu.memref_slice %arg6[%dma_start3A_3, %dma_start3A_4] : memref<256x256xf32, #tpu.memory_space<vmem>> -> memref<128x256xf32, #tpu.memory_space<vmem>>
    %dma_start3A_6 = arith.constant 0 : i32
    %dma_start3A_7 = tpu.memref_slice %arg5[%dma_start3A, %dma_start3A_6] : memref<2x128xi32, #tpu.memory_space<vmem>> -> memref<1x128xi32, #tpu.memory_space<vmem>>
    %dma_start3A_8 = tpu.memref_squeeze %dma_start3A_7 : memref<1x128xi32, #tpu.memory_space<vmem>> -> memref<128xi32, #tpu.memory_space<vmem>>
    %dma_start3A_9 = arith.constant 0 : i32
    %dma_start3A_10 = arith.constant 0 : i32
    %dma_start3A_11 = tpu.memref_slice %arg2[%dma_start3A_9, %dma_start3A_10] : memref<8192x256xf32, #tpu.memory_space<hbm>> -> memref<8192x256xf32, #tpu.memory_space<hbm>>
    tpu.enqueue_indirect_dma source(%dma_start3A_11 : memref<8192x256xf32, #tpu.memory_space<hbm>>) target(%dma_start3A_5 : memref<128x256xf32, #tpu.memory_space<vmem>>) offsets(%dma_start3A_8 : memref<128xi32, #tpu.memory_space<vmem>>) semaphore(%arg7 : memref<!tpu.dma_semaphore, #tpu.memory_space<semaphore_mem>>)
    %dma_start3A_12 = arith.constant 1 : i32
    %dma_start3A_13 = arith.constant 128 : i32
    %dma_start3A_14 = arith.constant 0 : i32
    %dma_start3A_15 = tpu.memref_slice %arg6[%dma_start3A_13, %dma_start3A_14] : memref<256x256xf32, #tpu.memory_space<vmem>> -> memref<128x256xf32, #tpu.memory_space<vmem>>
    %dma_start3A_16 = arith.constant 0 : i32
    %dma_start3A_17 = tpu.memref_slice %arg5[%dma_start3A_12, %dma_start3A_16] : memref<2x128xi32, #tpu.memory_space<vmem>> -> memref<1x128xi32, #tpu.memory_space<vmem>>
    %dma_start3A_18 = tpu.memref_squeeze %dma_start3A_17 : memref<1x128xi32, #tpu.memory_space<vmem>> -> memref<128xi32, #tpu.memory_space<vmem>>
    %dma_start3A_19 = arith.constant 0 : i32
    %dma_start3A_20 = arith.constant 0 : i32
    %dma_start3A_21 = tpu.memref_slice %arg2[%dma_start3A_19, %dma_start3A_20] : memref<8192x256xf32, #tpu.memory_space<hbm>> -> memref<8192x256xf32, #tpu.memory_space<hbm>>
    tpu.enqueue_indirect_dma source(%dma_start3A_21 : memref<8192x256xf32, #tpu.memory_space<hbm>>) target(%dma_start3A_15 : memref<128x256xf32, #tpu.memory_space<vmem>>) offsets(%dma_start3A_18 : memref<128xi32, #tpu.memory_space<vmem>>) semaphore(%arg7 : memref<!tpu.dma_semaphore, #tpu.memory_space<semaphore_mem>>)
    %dma_wait3A = arith.constant 0 : i32
    %dma_wait3A_22 = arith.constant 0 : i32
    %dma_wait3A_23 = arith.constant 0 : i32
    %dma_wait3A_24 = tpu.memref_slice %arg6[%dma_wait3A_22, %dma_wait3A_23] : memref<256x256xf32, #tpu.memory_space<vmem>> -> memref<128x256xf32, #tpu.memory_space<vmem>>
    %dma_wait3A_25 = arith.constant 0 : i32
    %dma_wait3A_26 = tpu.memref_slice %arg5[%dma_wait3A, %dma_wait3A_25] : memref<2x128xi32, #tpu.memory_space<vmem>> -> memref<1x128xi32, #tpu.memory_space<vmem>>
    %dma_wait3A_27 = tpu.memref_squeeze %dma_wait3A_26 : memref<1x128xi32, #tpu.memory_space<vmem>> -> memref<128xi32, #tpu.memory_space<vmem>>
    %dma_wait3A_28 = arith.constant 0 : i32
    %dma_wait3A_29 = arith.constant 0 : i32
    %dma_wait3A_30 = tpu.memref_slice %arg2[%dma_wait3A_28, %dma_wait3A_29] : memref<8192x256xf32, #tpu.memory_space<hbm>> -> memref<8192x256xf32, #tpu.memory_space<hbm>>
    tpu.wait_indirect_dma semaphore(%arg7 : memref<!tpu.dma_semaphore, #tpu.memory_space<semaphore_mem>>) src(%dma_wait3A_30 : memref<8192x256xf32, #tpu.memory_space<hbm>>) dst(%dma_wait3A_24 : memref<128x256xf32, #tpu.memory_space<vmem>>)
    %dma_wait3A_31 = arith.constant 1 : i32
    %dma_wait3A_32 = arith.constant 128 : i32
    %dma_wait3A_33 = arith.constant 0 : i32
    %dma_wait3A_34 = tpu.memref_slice %arg6[%dma_wait3A_32, %dma_wait3A_33] : memref<256x256xf32, #tpu.memory_space<vmem>> -> memref<128x256xf32, #tpu.memory_space<vmem>>
    %dma_wait3A_35 = arith.constant 0 : i32
    %dma_wait3A_36 = tpu.memref_slice %arg5[%dma_wait3A_31, %dma_wait3A_35] : memref<2x128xi32, #tpu.memory_space<vmem>> -> memref<1x128xi32, #tpu.memory_space<vmem>>
    %dma_wait3A_37 = tpu.memref_squeeze %dma_wait3A_36 : memref<1x128xi32, #tpu.memory_space<vmem>> -> memref<128xi32, #tpu.memory_space<vmem>>
    %dma_wait3A_38 = arith.constant 0 : i32
    %dma_wait3A_39 = arith.constant 0 : i32
    %dma_wait3A_40 = tpu.memref_slice %arg2[%dma_wait3A_38, %dma_wait3A_39] : memref<8192x256xf32, #tpu.memory_space<hbm>> -> memref<8192x256xf32, #tpu.memory_space<hbm>>
    tpu.wait_indirect_dma semaphore(%arg7 : memref<!tpu.dma_semaphore, #tpu.memory_space<semaphore_mem>>) src(%dma_wait3A_40 : memref<8192x256xf32, #tpu.memory_space<hbm>>) dst(%dma_wait3A_34 : memref<128x256xf32, #tpu.memory_space<vmem>>)
    "tpu.region"() ({
      %run_scoped3A = tpu.sem_alloc : memref<!tpu.dma_semaphore, #tpu.memory_space<semaphore_mem>>
      %dma_start3A_41 = arith.constant 0 : i32
      %dma_start3A_42 = tpu.memref_slice %arg4[%mul3A_2, %dma_start3A_41] : memref<8192x256xf32, #tpu.memory_space<hbm>> -> memref<256x256xf32, #tpu.memory_space<hbm>>
      %dma_start3A_43 = arith.constant 0 : i32
      %dma_start3A_44 = tpu.memref_slice %arg4[%mul3A_2, %dma_start3A_43] : memref<8192x256xf32, #tpu.memory_space<hbm>> -> memref<256x256xf32, #tpu.memory_space<hbm>>
      tpu.enqueue_dma source(%arg6 : memref<256x256xf32, #tpu.memory_space<vmem>>) target(%dma_start3A_44 : memref<256x256xf32, #tpu.memory_space<hbm>>) target_semaphore(%run_scoped3A : memref<!tpu.dma_semaphore, #tpu.memory_space<semaphore_mem>>)
      %dma_wait3A_45 = arith.constant 0 : i32
      %dma_wait3A_46 = tpu.memref_slice %arg4[%mul3A_2, %dma_wait3A_45] : memref<8192x256xf32, #tpu.memory_space<hbm>> -> memref<256x256xf32, #tpu.memory_space<hbm>>
      %dma_wait3A_47 = arith.constant 0 : i32
      %dma_wait3A_48 = tpu.memref_slice %arg4[%mul3A_2, %dma_wait3A_47] : memref<8192x256xf32, #tpu.memory_space<hbm>> -> memref<256x256xf32, #tpu.memory_space<hbm>>
      tpu.wait_dma2 semaphore(%run_scoped3A : memref<!tpu.dma_semaphore, #tpu.memory_space<semaphore_mem>>) src(%arg6 : memref<256x256xf32, #tpu.memory_space<vmem>>) dst(%dma_wait3A_48 : memref<256x256xf32, #tpu.memory_space<hbm>>)
      tpu.yield
    }) : () -> ()
    return
  }
}

module attributes {stable_mosaic.version = 14 : i64} {
  func.func @_enc_body(%arg0: i32, %arg1: memref<1024x768xbf16, #tpu.memory_space<vmem>>, %arg2: memref<2048x768xbf16, #tpu.memory_space<vmem>>, %arg3: memref<1x2048xf32, #tpu.memory_space<vmem>>, %arg4: memref<2048x2048xbf16, #tpu.memory_space<vmem>>, %arg5: memref<1x2048xf32, #tpu.memory_space<vmem>>, %arg6: memref<256x2048xbf16, #tpu.memory_space<vmem>>, %arg7: memref<1x256xf32, #tpu.memory_space<vmem>>, %arg8: memref<1024x256xf32, #tpu.memory_space<vmem>>) attributes {dimension_semantics = [#tpu.dimension_semantics<arbitrary>], iteration_bounds = array<i64: 8>, scalar_prefetch = 0 : i64, scratch_operands = 0 : i64, tpu.core_type = #tpu.core_type<tc>, window_params = [{transform_indices = @transform_0, window_bounds = array<i64: 1024, 768>}, {pipeline_mode = #tpu.pipeline_mode<synchronous>, transform_indices = @transform_1, window_bounds = array<i64: 2048, 768>}, {pipeline_mode = #tpu.pipeline_mode<synchronous>, transform_indices = @transform_2, window_bounds = array<i64: 1, 2048>}, {pipeline_mode = #tpu.pipeline_mode<synchronous>, transform_indices = @transform_3, window_bounds = array<i64: 2048, 2048>}, {pipeline_mode = #tpu.pipeline_mode<synchronous>, transform_indices = @transform_4, window_bounds = array<i64: 1, 2048>}, {pipeline_mode = #tpu.pipeline_mode<synchronous>, transform_indices = @transform_5, window_bounds = array<i64: 256, 2048>}, {pipeline_mode = #tpu.pipeline_mode<synchronous>, transform_indices = @transform_6, window_bounds = array<i64: 1, 256>}, {transform_indices = @transform_7, window_bounds = array<i64: 1024, 256>}]} {
    %get3A = arith.constant 0 : index
    %get3A_0 = arith.constant 0 : index
    %get3A_1 = vector.load %arg1[%get3A, %get3A_0] : memref<1024x768xbf16, #tpu.memory_space<vmem>>, vector<1024x768xbf16>
    %get3A_2 = arith.constant 0 : index
    %get3A_3 = arith.constant 0 : index
    %get3A_4 = vector.load %arg2[%get3A_2, %get3A_3] : memref<2048x768xbf16, #tpu.memory_space<vmem>>, vector<2048x768xbf16>
    %dot_general3A = arith.constant dense<0.000000e+00> : vector<1024x2048xf32>
    %dot_general3A_5 = tpu.matmul %get3A_1, %get3A_4, %dot_general3A {dimension_numbers = #tpu.dot_dimension_numbers<[1], [1], [0], [0], [0, 0, 1, 0], [], []>, transpose_lhs_hint = false} : vector<1024x768xbf16>, vector<2048x768xbf16>, vector<1024x2048xf32> -> vector<1024x2048xf32>
    %get3A_6 = arith.constant 0 : index
    %get3A_7 = arith.constant 0 : index
    %get3A_8 = vector.load %arg3[%get3A_6, %get3A_7] : memref<1x2048xf32, #tpu.memory_space<vmem>>, vector<1x2048xf32>
    %add3A = vector.broadcast %get3A_8 : vector<1x2048xf32> to vector<1024x2048xf32>
    %add3A_9 = arith.addf %dot_general3A_5, %add3A : vector<1024x2048xf32>
    %max3A = arith.constant 0.000000e+00 : f32
    %max3A_10 = vector.broadcast %max3A : f32 to vector<1024x2048xf32>
    %max3A_11 = arith.maximumf %add3A_9, %max3A_10 : vector<1024x2048xf32>
    %get3A_12 = arith.constant 0 : index
    %get3A_13 = arith.constant 0 : index
    %get3A_14 = vector.load %arg4[%get3A_12, %get3A_13] : memref<2048x2048xbf16, #tpu.memory_space<vmem>>, vector<2048x2048xbf16>
    %convert_element_type3A = arith.truncf %max3A_11 : vector<1024x2048xf32> to vector<1024x2048xbf16>
    %dot_general3A_15 = arith.constant dense<0.000000e+00> : vector<1024x2048xf32>
    %dot_general3A_16 = tpu.matmul %convert_element_type3A, %get3A_14, %dot_general3A_15 {dimension_numbers = #tpu.dot_dimension_numbers<[1], [1], [0], [0], [0, 0, 1, 0], [], []>, transpose_lhs_hint = false} : vector<1024x2048xbf16>, vector<2048x2048xbf16>, vector<1024x2048xf32> -> vector<1024x2048xf32>
    %get3A_17 = arith.constant 0 : index
    %get3A_18 = arith.constant 0 : index
    %get3A_19 = vector.load %arg5[%get3A_17, %get3A_18] : memref<1x2048xf32, #tpu.memory_space<vmem>>, vector<1x2048xf32>
    %add3A_20 = vector.broadcast %get3A_19 : vector<1x2048xf32> to vector<1024x2048xf32>
    %add3A_21 = arith.addf %dot_general3A_16, %add3A_20 : vector<1024x2048xf32>
    %max3A_22 = arith.constant 0.000000e+00 : f32
    %max3A_23 = vector.broadcast %max3A_22 : f32 to vector<1024x2048xf32>
    %max3A_24 = arith.maximumf %add3A_21, %max3A_23 : vector<1024x2048xf32>
    %get3A_25 = arith.constant 0 : index
    %get3A_26 = arith.constant 0 : index
    %get3A_27 = vector.load %arg6[%get3A_25, %get3A_26] : memref<256x2048xbf16, #tpu.memory_space<vmem>>, vector<256x2048xbf16>
    %convert_element_type3A_28 = arith.truncf %max3A_24 : vector<1024x2048xf32> to vector<1024x2048xbf16>
    %dot_general3A_29 = arith.constant dense<0.000000e+00> : vector<1024x256xf32>
    %dot_general3A_30 = tpu.matmul %convert_element_type3A_28, %get3A_27, %dot_general3A_29 {dimension_numbers = #tpu.dot_dimension_numbers<[1], [1], [0], [0], [0, 0, 1, 0], [], []>, transpose_lhs_hint = false} : vector<1024x2048xbf16>, vector<256x2048xbf16>, vector<1024x256xf32> -> vector<1024x256xf32>
    %get3A_31 = arith.constant 0 : index
    %get3A_32 = arith.constant 0 : index
    %get3A_33 = vector.load %arg7[%get3A_31, %get3A_32] : memref<1x256xf32, #tpu.memory_space<vmem>>, vector<1x256xf32>
    %add3A_34 = vector.broadcast %get3A_33 : vector<1x256xf32> to vector<1024x256xf32>
    %add3A_35 = arith.addf %dot_general3A_30, %add3A_34 : vector<1024x256xf32>
    %swap3A = arith.constant 0 : index
    %swap3A_36 = arith.constant 0 : index
    %swap3A_37 = vector.load %arg8[%swap3A, %swap3A_36] : memref<1024x256xf32, #tpu.memory_space<vmem>>, vector<1024x256xf32>
    tpu.vector_store %arg8[%swap3A, %swap3A_36], %add3A_35 {strides = array<i32>} : memref<1024x256xf32, #tpu.memory_space<vmem>>, vector<1024x256xf32>,
    return
  }
  func.func @transform_0(%arg0: i32) -> (i32, i32) {
    %c0_i32 = arith.constant 0 : i32
    %c0_i32_0 = arith.constant 0 : i32
    return %arg0, %c0_i32 : i32, i32
  }
  func.func @transform_1(%arg0: i32) -> (i32, i32) {
    %c0_i32 = arith.constant 0 : i32
    %c0_i32_0 = arith.constant 0 : i32
    %c0_i32_1 = arith.constant 0 : i32
    return %c0_i32, %c0_i32_0 : i32, i32
  }
  func.func @transform_2(%arg0: i32) -> (i32, i32) {
    %c0_i32 = arith.constant 0 : i32
    %c0_i32_0 = arith.constant 0 : i32
    %c0_i32_1 = arith.constant 0 : i32
    return %c0_i32, %c0_i32_0 : i32, i32
  }
  func.func @transform_3(%arg0: i32) -> (i32, i32) {
    %c0_i32 = arith.constant 0 : i32
    %c0_i32_0 = arith.constant 0 : i32
    %c0_i32_1 = arith.constant 0 : i32
    return %c0_i32, %c0_i32_0 : i32, i32
  }
  func.func @transform_4(%arg0: i32) -> (i32, i32) {
    %c0_i32 = arith.constant 0 : i32
    %c0_i32_0 = arith.constant 0 : i32
    %c0_i32_1 = arith.constant 0 : i32
    return %c0_i32, %c0_i32_0 : i32, i32
  }
  func.func @transform_5(%arg0: i32) -> (i32, i32) {
    %c0_i32 = arith.constant 0 : i32
    %c0_i32_0 = arith.constant 0 : i32
    %c0_i32_1 = arith.constant 0 : i32
    return %c0_i32, %c0_i32_0 : i32, i32
  }
  func.func @transform_6(%arg0: i32) -> (i32, i32) {
    %c0_i32 = arith.constant 0 : i32
    %c0_i32_0 = arith.constant 0 : i32
    %c0_i32_1 = arith.constant 0 : i32
    return %c0_i32, %c0_i32_0 : i32, i32
  }
  func.func @transform_7(%arg0: i32) -> (i32, i32) {
    %c0_i32 = arith.constant 0 : i32
    %c0_i32_0 = arith.constant 0 : i32
    return %arg0, %c0_i32 : i32, i32
  }
}

module attributes {stable_mosaic.version = 14 : i64} {
  func.func @_vq_body(%arg0: i32, %arg1: memref<512x256xf32, #tpu.memory_space<vmem>>, %arg2: memref<8192x256xbf16, #tpu.memory_space<vmem>>, %arg3: memref<8192x256xf32, #tpu.memory_space<vmem>>, %arg4: memref<1x1x512xi32, #tpu.memory_space<vmem>>, %arg5: memref<1x1x512xi32, #tpu.memory_space<vmem>>, %arg6: memref<1x1x512xi32, #tpu.memory_space<vmem>>, %arg7: memref<1x1x128xf32, #tpu.memory_space<vmem>>, %arg8: memref<1x8192xf32, #tpu.memory_space<vmem>>) attributes {dimension_semantics = [#tpu.dimension_semantics<arbitrary>], iteration_bounds = array<i64: 16>, scalar_prefetch = 0 : i64, scratch_operands = 1 : i64, tpu.core_type = #tpu.core_type<tc>, window_params = [{transform_indices = @transform_0, window_bounds = array<i64: 512, 256>}, {pipeline_mode = #tpu.pipeline_mode<synchronous>, transform_indices = @transform_1, window_bounds = array<i64: 8192, 256>}, {pipeline_mode = #tpu.pipeline_mode<synchronous>, transform_indices = @transform_2, window_bounds = array<i64: 8192, 256>}, {transform_indices = @transform_3, window_bounds = array<i64: 1, 1, 512>}, {transform_indices = @transform_4, window_bounds = array<i64: 1, 1, 512>}, {transform_indices = @transform_5, window_bounds = array<i64: 1, 1, 512>}, {transform_indices = @transform_6, window_bounds = array<i64: 1, 1, 128>}]} {
    %eq3A = arith.constant 0 : i32
    %eq3A_0 = arith.cmpi eq, %arg0, %eq3A : i32
    %convert_element_type3A = arith.extui %eq3A_0 : i1 to i32
    %cond3A = arith.constant 0 : i32
    %cond3A_1 = arith.cmpi ne, %convert_element_type3A, %cond3A : i32
    scf.if %cond3A_1 {
      %get3A_72 = arith.constant 0 : index
      %get3A_73 = arith.constant 0 : index
      %get3A_74 = vector.load %arg3[%get3A_72, %get3A_73] : memref<8192x256xf32, #tpu.memory_space<vmem>>, vector<8192x256xf32>
      %broadcast_in_dim3A_75 = arith.constant 1.000000e+00 : f32
      %broadcast_in_dim3A_76 = vector.broadcast %broadcast_in_dim3A_75 : f32 to vector<1x256xf32>
      %mul3A_77 = arith.mulf %get3A_74, %get3A_74 : vector<8192x256xf32>
      %dot_general3A_78 = arith.constant dense<0.000000e+00> : vector<1x8192xf32>
      %dot_general3A_79 = tpu.matmul %broadcast_in_dim3A_76, %mul3A_77, %dot_general3A_78 {dimension_numbers = #tpu.dot_dimension_numbers<[1], [1], [0], [0], [0, 0, 1, 0], [], []>, precision = #tpu.contract_precision<fp32>, transpose_lhs_hint = false} : vector<1x256xf32>, vector<8192x256xf32>, vector<1x8192xf32> -> vector<1x8192xf32>
      %swap3A_80 = arith.constant 0 : index
      %swap3A_81 = arith.constant 0 : index
      %swap3A_82 = vector.load %arg8[%swap3A_80, %swap3A_81] : memref<1x8192xf32, #tpu.memory_space<vmem>>, vector<1x8192xf32>
      tpu.vector_store %arg8[%swap3A_80, %swap3A_81], %dot_general3A_79 {strides = array<i32>} : memref<1x8192xf32, #tpu.memory_space<vmem>>, vector<1x8192xf32>,
    } else {
    }
    %get3A = arith.constant 0 : index
    %get3A_2 = arith.constant 0 : index
    %get3A_3 = vector.load %arg1[%get3A, %get3A_2] : memref<512x256xf32, #tpu.memory_space<vmem>>, vector<512x256xf32>
    %get3A_4 = arith.constant 0 : index
    %get3A_5 = arith.constant 0 : index
    %get3A_6 = vector.load %arg2[%get3A_4, %get3A_5] : memref<8192x256xbf16, #tpu.memory_space<vmem>>, vector<8192x256xbf16>
    %convert_element_type3A_7 = arith.truncf %get3A_3 : vector<512x256xf32> to vector<512x256xbf16>
    %dot_general3A = arith.constant dense<0.000000e+00> : vector<512x8192xf32>
    %dot_general3A_8 = tpu.matmul %convert_element_type3A_7, %get3A_6, %dot_general3A {dimension_numbers = #tpu.dot_dimension_numbers<[1], [1], [0], [0], [0, 0, 1, 0], [], []>, transpose_lhs_hint = false} : vector<512x256xbf16>, vector<8192x256xbf16>, vector<512x8192xf32> -> vector<512x8192xf32>
    %mul3A = arith.mulf %get3A_3, %get3A_3 : vector<512x256xf32>
    %reduce_sum3A = arith.constant dense<0.000000e+00> : vector<512xf32>
    %reduce_sum3A_9 = vector.multi_reduction <add>, %mul3A, %reduce_sum3A [1] : vector<512x256xf32> to vector<512xf32>
    %broadcast_in_dim3A = vector.shape_cast %reduce_sum3A_9 : vector<512xf32> to vector<512x1xf32>
    %mul3A_10 = arith.constant 2.000000e+00 : f32
    %mul3A_11 = vector.broadcast %mul3A_10 : f32 to vector<512x8192xf32>
    %mul3A_12 = arith.mulf %mul3A_11, %dot_general3A_8 : vector<512x8192xf32>
    %sub3A = vector.broadcast %broadcast_in_dim3A : vector<512x1xf32> to vector<512x8192xf32>
    %sub3A_13 = arith.subf %sub3A, %mul3A_12 : vector<512x8192xf32>
    %get3A_14 = arith.constant 0 : index
    %get3A_15 = arith.constant 0 : index
    %get3A_16 = vector.load %arg8[%get3A_14, %get3A_15] : memref<1x8192xf32, #tpu.memory_space<vmem>>, vector<1x8192xf32>
    %add3A = vector.broadcast %get3A_16 : vector<1x8192xf32> to vector<512x8192xf32>
    %add3A_17 = arith.addf %sub3A_13, %add3A : vector<512x8192xf32>
    %reduce_min3A = arith.constant dense<0x7F800000> : vector<512xf32>
    %reduce_min3A_18 = vector.multi_reduction <minimumf>, %add3A_17, %reduce_min3A [1] : vector<512x8192xf32> to vector<512xf32>
    %broadcast_in_dim3A_19 = vector.shape_cast %reduce_min3A_18 : vector<512xf32> to vector<512x1xf32>
    %iota3A = tpu.iota {dimensions = array<i32: 1>} : vector<512x8192xi32>
    %le3A = vector.broadcast %broadcast_in_dim3A_19 : vector<512x1xf32> to vector<512x8192xf32>
    %le3A_20 = arith.cmpf ole, %add3A_17, %le3A : vector<512x8192xf32>
    %jit3A = arith.constant 8192 : i32
    %broadcast_in_dim3A_21 = vector.broadcast %jit3A : i32 to vector<512x8192xi32>
    %select_n3A = arith.select %le3A_20, %iota3A, %broadcast_in_dim3A_21 : vector<512x8192xi1>, vector<512x8192xi32>
    %reduce_min3A_22 = arith.constant dense<2147483647> : vector<512xi32>
    %reduce_min3A_23 = vector.multi_reduction <minsi>, %select_n3A, %reduce_min3A_22 [1] : vector<512x8192xi32> to vector<512xi32>
    %swap3A = arith.constant 0 : index
    %swap3A_24 = arith.constant 0 : index
    %swap3A_25 = arith.constant 0 : index
    %swap3A_26 = vector.load %arg4[%swap3A, %swap3A_24, %swap3A_25] : memref<1x1x512xi32, #tpu.memory_space<vmem>>, vector<1x1x512xi32>
    %swap3A_27 = vector.shape_cast %swap3A_26 : vector<1x1x512xi32> to vector<512xi32>
    %swap3A_28 = vector.shape_cast %reduce_min3A_23 : vector<512xi32> to vector<1x1x512xi32>
    tpu.vector_store %arg4[%swap3A, %swap3A_24, %swap3A_25], %swap3A_28 {strides = array<i32>} : memref<1x1x512xi32, #tpu.memory_space<vmem>>, vector<1x1x512xi32>,
    %iota3A_29 = tpu.iota {dimensions = array<i32: 1>} : vector<512x512xi32>
    %broadcast_in_dim3A_30 = vector.shape_cast %reduce_min3A_23 : vector<512xi32> to vector<512x1xi32>
    %broadcast_in_dim3A_31 = vector.shape_cast %reduce_min3A_23 : vector<512xi32> to vector<1x512xi32>
    %eq3A_32 = vector.broadcast %broadcast_in_dim3A_30 : vector<512x1xi32> to vector<512x512xi32>
    %eq3A_33 = vector.broadcast %broadcast_in_dim3A_31 : vector<1x512xi32> to vector<512x512xi32>
    %eq3A_34 = arith.cmpi eq, %eq3A_32, %eq3A_33 : vector<512x512xi32>
    %jit3A_35 = arith.constant 512 : i32
    %broadcast_in_dim3A_36 = vector.broadcast %jit3A_35 : i32 to vector<512x512xi32>
    %select_n3A_37 = arith.select %eq3A_34, %iota3A_29, %broadcast_in_dim3A_36 : vector<512x512xi1>, vector<512x512xi32>
    %reduce_min3A_38 = arith.constant dense<2147483647> : vector<512xi32>
    %reduce_min3A_39 = vector.multi_reduction <minsi>, %select_n3A_37, %reduce_min3A_38 [1] : vector<512x512xi32> to vector<512xi32>
    %iota3A_40 = tpu.iota {dimensions = array<i32: 1>} : vector<1x512xi32>
    %iota3A_41 = vector.shape_cast %iota3A_40 : vector<1x512xi32> to vector<512xi32>
    %mul3A_42 = arith.constant 512 : i32
    %mul3A_43 = arith.muli %arg0, %mul3A_42 : i32
    %add3A_44 = vector.broadcast %mul3A_43 : i32 to vector<512xi32>
    %add3A_45 = arith.addi %add3A_44, %iota3A_41 : vector<512xi32>
    %eq3A_46 = arith.cmpi eq, %reduce_min3A_39, %iota3A_41 : vector<512xi32>
    %select_n3A_47 = arith.select %eq3A_46, %reduce_min3A_23, %add3A_45 : vector<512xi1>, vector<512xi32>
    %swap3A_48 = arith.constant 0 : index
    %swap3A_49 = arith.constant 0 : index
    %swap3A_50 = arith.constant 0 : index
    %swap3A_51 = vector.load %arg5[%swap3A_48, %swap3A_49, %swap3A_50] : memref<1x1x512xi32, #tpu.memory_space<vmem>>, vector<1x1x512xi32>
    %swap3A_52 = vector.shape_cast %swap3A_51 : vector<1x1x512xi32> to vector<512xi32>
    %swap3A_53 = vector.shape_cast %select_n3A_47 : vector<512xi32> to vector<1x1x512xi32>
    tpu.vector_store %arg5[%swap3A_48, %swap3A_49, %swap3A_50], %swap3A_53 {strides = array<i32>} : memref<1x1x512xi32, #tpu.memory_space<vmem>>, vector<1x1x512xi32>,
    %swap3A_54 = arith.constant 0 : index
    %swap3A_55 = arith.constant 0 : index
    %swap3A_56 = arith.constant 0 : index
    %swap3A_57 = vector.load %arg6[%swap3A_54, %swap3A_55, %swap3A_56] : memref<1x1x512xi32, #tpu.memory_space<vmem>>, vector<1x1x512xi32>
    %swap3A_58 = vector.shape_cast %swap3A_57 : vector<1x1x512xi32> to vector<512xi32>
    %swap3A_59 = vector.shape_cast %reduce_min3A_39 : vector<512xi32> to vector<1x1x512xi32>
    tpu.vector_store %arg6[%swap3A_54, %swap3A_55, %swap3A_56], %swap3A_59 {strides = array<i32>} : memref<1x1x512xi32, #tpu.memory_space<vmem>>, vector<1x1x512xi32>,
    %reduce_sum3A_60 = vector.shape_cast %broadcast_in_dim3A_19 : vector<512x1xf32> to vector<1x512x1xf32>
    %reduce_sum3A_61 = arith.constant dense<0.000000e+00> : vector<1xf32>
    %reduce_sum3A_62 = vector.multi_reduction <add>, %reduce_sum3A_60, %reduce_sum3A_61 [1, 2] : vector<1x512x1xf32> to vector<1xf32>
    %reduce_sum3A_63 = vector.shape_cast %reduce_sum3A_62 : vector<1xf32> to vector<1x1x1xf32>
    %reduce_sum3A_64 = vector.extract %reduce_sum3A_63[0, 0, 0] : f32 from vector<1x1x1xf32>
    %broadcast_in_dim3A_65 = vector.broadcast %reduce_sum3A_64 : f32 to vector<128xf32>
    %swap3A_66 = arith.constant 0 : index
    %swap3A_67 = arith.constant 0 : index
    %swap3A_68 = arith.constant 0 : index
    %swap3A_69 = vector.load %arg7[%swap3A_66, %swap3A_67, %swap3A_68] : memref<1x1x128xf32, #tpu.memory_space<vmem>>, vector<1x1x128xf32>
    %swap3A_70 = vector.shape_cast %swap3A_69 : vector<1x1x128xf32> to vector<128xf32>
    %swap3A_71 = vector.shape_cast %broadcast_in_dim3A_65 : vector<128xf32> to vector<1x1x128xf32>
    tpu.vector_store %arg7[%swap3A_66, %swap3A_67, %swap3A_68], %swap3A_71 {strides = array<i32>} : memref<1x1x128xf32, #tpu.memory_space<vmem>>, vector<1x1x128xf32>,
    return
  }
  func.func @transform_0(%arg0: i32) -> (i32, i32) {
    %c0_i32 = arith.constant 0 : i32
    %c0_i32_0 = arith.constant 0 : i32
    return %arg0, %c0_i32 : i32, i32
  }
  func.func @transform_1(%arg0: i32) -> (i32, i32) {
    %c0_i32 = arith.constant 0 : i32
    %c0_i32_0 = arith.constant 0 : i32
    %c0_i32_1 = arith.constant 0 : i32
    return %c0_i32, %c0_i32_0 : i32, i32
  }
  func.func @transform_2(%arg0: i32) -> (i32, i32) {
    %c0_i32 = arith.constant 0 : i32
    %c0_i32_0 = arith.constant 0 : i32
    %c0_i32_1 = arith.constant 0 : i32
    return %c0_i32, %c0_i32_0 : i32, i32
  }
  func.func @transform_3(%arg0: i32) -> (i32, i32, i32) {
    %c0_i32 = arith.constant 0 : i32
    %c0_i32_0 = arith.constant 0 : i32
    %c0_i32_1 = arith.constant 0 : i32
    return %arg0, %c0_i32, %c0_i32_0 : i32, i32, i32
  }
  func.func @transform_4(%arg0: i32) -> (i32, i32, i32) {
    %c0_i32 = arith.constant 0 : i32
    %c0_i32_0 = arith.constant 0 : i32
    %c0_i32_1 = arith.constant 0 : i32
    return %arg0, %c0_i32, %c0_i32_0 : i32, i32, i32
  }
  func.func @transform_5(%arg0: i32) -> (i32, i32, i32) {
    %c0_i32 = arith.constant 0 : i32
    %c0_i32_0 = arith.constant 0 : i32
    %c0_i32_1 = arith.constant 0 : i32
    return %arg0, %c0_i32, %c0_i32_0 : i32, i32, i32
  }
  func.func @transform_6(%arg0: i32) -> (i32, i32, i32) {
    %c0_i32 = arith.constant 0 : i32
    %c0_i32_0 = arith.constant 0 : i32
    %c0_i32_1 = arith.constant 0 : i32
    return %arg0, %c0_i32, %c0_i32_0 : i32, i32, i32
  }
}

module attributes {stable_mosaic.version = 14 : i64} {
  func.func @_dec_body(%arg0: i32, %arg1: memref<512x256xf32, #tpu.memory_space<vmem>>, %arg2: memref<1x1x512xi32, #tpu.memory_space<vmem>>, %arg3: memref<512x768xf32, #tpu.memory_space<vmem>>, %arg4: memref<2048x256xbf16, #tpu.memory_space<vmem>>, %arg5: memref<1x2048xf32, #tpu.memory_space<vmem>>, %arg6: memref<2048x2048xbf16, #tpu.memory_space<vmem>>, %arg7: memref<1x2048xf32, #tpu.memory_space<vmem>>, %arg8: memref<768x2048xbf16, #tpu.memory_space<vmem>>, %arg9: memref<1x768xf32, #tpu.memory_space<vmem>>, %arg10: memref<512x768xf32, #tpu.memory_space<vmem>>, %arg11: memref<1x1x128xf32, #tpu.memory_space<vmem>>) attributes {dimension_semantics = [#tpu.dimension_semantics<arbitrary>], iteration_bounds = array<i64: 16>, scalar_prefetch = 0 : i64, scratch_operands = 0 : i64, tpu.core_type = #tpu.core_type<tc>, window_params = [{transform_indices = @transform_0, window_bounds = array<i64: 512, 256>}, {transform_indices = @transform_1, window_bounds = array<i64: 1, 1, 512>}, {transform_indices = @transform_2, window_bounds = array<i64: 512, 768>}, {pipeline_mode = #tpu.pipeline_mode<synchronous>, transform_indices = @transform_3, window_bounds = array<i64: 2048, 256>}, {pipeline_mode = #tpu.pipeline_mode<synchronous>, transform_indices = @transform_4, window_bounds = array<i64: 1, 2048>}, {pipeline_mode = #tpu.pipeline_mode<synchronous>, transform_indices = @transform_5, window_bounds = array<i64: 2048, 2048>}, {pipeline_mode = #tpu.pipeline_mode<synchronous>, transform_indices = @transform_6, window_bounds = array<i64: 1, 2048>}, {pipeline_mode = #tpu.pipeline_mode<synchronous>, transform_indices = @transform_7, window_bounds = array<i64: 768, 2048>}, {pipeline_mode = #tpu.pipeline_mode<synchronous>, transform_indices = @transform_8, window_bounds = array<i64: 1, 768>}, {transform_indices = @transform_9, window_bounds = array<i64: 512, 768>}, {transform_indices = @transform_10, window_bounds = array<i64: 1, 1, 128>}]} {
    %get3A = arith.constant 0 : index
    %get3A_0 = arith.constant 0 : index
    %get3A_1 = arith.constant 0 : index
    %get3A_2 = vector.load %arg2[%get3A, %get3A_0, %get3A_1] : memref<1x1x512xi32, #tpu.memory_space<vmem>>, vector<1x1x512xi32>
    %get3A_3 = vector.shape_cast %get3A_2 : vector<1x1x512xi32> to vector<512xi32>
    %iota3A = tpu.iota {dimensions = array<i32: 1>} : vector<512x512xi32>
    %broadcast_in_dim3A = vector.shape_cast %get3A_3 : vector<512xi32> to vector<512x1xi32>
    %eq3A = vector.broadcast %broadcast_in_dim3A : vector<512x1xi32> to vector<512x512xi32>
    %eq3A_4 = arith.cmpi eq, %eq3A, %iota3A : vector<512x512xi32>
    %convert_element_type3A = arith.extui %eq3A_4 : vector<512x512xi1> to vector<512x512xi32>
    %convert_element_type3A_5 = arith.sitofp %convert_element_type3A : vector<512x512xi32> to vector<512x512xf32>
    %convert_element_type3A_6 = arith.truncf %convert_element_type3A_5 : vector<512x512xf32> to vector<512x512xbf16>
    %get3A_7 = arith.constant 0 : index
    %get3A_8 = arith.constant 0 : index
    %get3A_9 = vector.load %arg1[%get3A_7, %get3A_8] : memref<512x256xf32, #tpu.memory_space<vmem>>, vector<512x256xf32>
    %convert_element_type3A_10 = arith.truncf %get3A_9 : vector<512x256xf32> to vector<512x256xbf16>
    %dot_general3A = arith.constant dense<0.000000e+00> : vector<512x256xf32>
    %dot_general3A_11 = tpu.matmul %convert_element_type3A_6, %convert_element_type3A_10, %dot_general3A {dimension_numbers = #tpu.dot_dimension_numbers<[1], [0], [0], [1], [0, 0, 1, 1], [], []>, transpose_lhs_hint = false} : vector<512x512xbf16>, vector<512x256xbf16>, vector<512x256xf32> -> vector<512x256xf32>
    %convert_element_type3A_12 = arith.truncf %dot_general3A_11 : vector<512x256xf32> to vector<512x256xbf16>
    %get3A_13 = arith.constant 0 : index
    %get3A_14 = arith.constant 0 : index
    %get3A_15 = vector.load %arg4[%get3A_13, %get3A_14] : memref<2048x256xbf16, #tpu.memory_space<vmem>>, vector<2048x256xbf16>
    %dot_general3A_16 = arith.constant dense<0.000000e+00> : vector<512x2048xf32>
    %dot_general3A_17 = tpu.matmul %convert_element_type3A_12, %get3A_15, %dot_general3A_16 {dimension_numbers = #tpu.dot_dimension_numbers<[1], [1], [0], [0], [0, 0, 1, 0], [], []>, transpose_lhs_hint = false} : vector<512x256xbf16>, vector<2048x256xbf16>, vector<512x2048xf32> -> vector<512x2048xf32>
    %get3A_18 = arith.constant 0 : index
    %get3A_19 = arith.constant 0 : index
    %get3A_20 = vector.load %arg5[%get3A_18, %get3A_19] : memref<1x2048xf32, #tpu.memory_space<vmem>>, vector<1x2048xf32>
    %add3A = vector.broadcast %get3A_20 : vector<1x2048xf32> to vector<512x2048xf32>
    %add3A_21 = arith.addf %dot_general3A_17, %add3A : vector<512x2048xf32>
    %max3A = arith.constant 0.000000e+00 : f32
    %max3A_22 = vector.broadcast %max3A : f32 to vector<512x2048xf32>
    %max3A_23 = arith.maximumf %add3A_21, %max3A_22 : vector<512x2048xf32>
    %get3A_24 = arith.constant 0 : index
    %get3A_25 = arith.constant 0 : index
    %get3A_26 = vector.load %arg6[%get3A_24, %get3A_25] : memref<2048x2048xbf16, #tpu.memory_space<vmem>>, vector<2048x2048xbf16>
    %convert_element_type3A_27 = arith.truncf %max3A_23 : vector<512x2048xf32> to vector<512x2048xbf16>
    %dot_general3A_28 = arith.constant dense<0.000000e+00> : vector<512x2048xf32>
    %dot_general3A_29 = tpu.matmul %convert_element_type3A_27, %get3A_26, %dot_general3A_28 {dimension_numbers = #tpu.dot_dimension_numbers<[1], [1], [0], [0], [0, 0, 1, 0], [], []>, transpose_lhs_hint = false} : vector<512x2048xbf16>, vector<2048x2048xbf16>, vector<512x2048xf32> -> vector<512x2048xf32>
    %get3A_30 = arith.constant 0 : index
    %get3A_31 = arith.constant 0 : index
    %get3A_32 = vector.load %arg7[%get3A_30, %get3A_31] : memref<1x2048xf32, #tpu.memory_space<vmem>>, vector<1x2048xf32>
    %add3A_33 = vector.broadcast %get3A_32 : vector<1x2048xf32> to vector<512x2048xf32>
    %add3A_34 = arith.addf %dot_general3A_29, %add3A_33 : vector<512x2048xf32>
    %max3A_35 = arith.constant 0.000000e+00 : f32
    %max3A_36 = vector.broadcast %max3A_35 : f32 to vector<512x2048xf32>
    %max3A_37 = arith.maximumf %add3A_34, %max3A_36 : vector<512x2048xf32>
    %get3A_38 = arith.constant 0 : index
    %get3A_39 = arith.constant 0 : index
    %get3A_40 = vector.load %arg8[%get3A_38, %get3A_39] : memref<768x2048xbf16, #tpu.memory_space<vmem>>, vector<768x2048xbf16>
    %convert_element_type3A_41 = arith.truncf %max3A_37 : vector<512x2048xf32> to vector<512x2048xbf16>
    %dot_general3A_42 = arith.constant dense<0.000000e+00> : vector<512x768xf32>
    %dot_general3A_43 = tpu.matmul %convert_element_type3A_41, %get3A_40, %dot_general3A_42 {dimension_numbers = #tpu.dot_dimension_numbers<[1], [1], [0], [0], [0, 0, 1, 0], [], []>, transpose_lhs_hint = false} : vector<512x2048xbf16>, vector<768x2048xbf16>, vector<512x768xf32> -> vector<512x768xf32>
    %get3A_44 = arith.constant 0 : index
    %get3A_45 = arith.constant 0 : index
    %get3A_46 = vector.load %arg9[%get3A_44, %get3A_45] : memref<1x768xf32, #tpu.memory_space<vmem>>, vector<1x768xf32>
    %add3A_47 = vector.broadcast %get3A_46 : vector<1x768xf32> to vector<512x768xf32>
    %add3A_48 = arith.addf %dot_general3A_43, %add3A_47 : vector<512x768xf32>
    %swap3A = arith.constant 0 : index
    %swap3A_49 = arith.constant 0 : index
    %swap3A_50 = vector.load %arg10[%swap3A, %swap3A_49] : memref<512x768xf32, #tpu.memory_space<vmem>>, vector<512x768xf32>
    tpu.vector_store %arg10[%swap3A, %swap3A_49], %add3A_48 {strides = array<i32>} : memref<512x768xf32, #tpu.memory_space<vmem>>, vector<512x768xf32>,
    %get3A_51 = arith.constant 0 : index
    %get3A_52 = arith.constant 0 : index
    %get3A_53 = vector.load %arg3[%get3A_51, %get3A_52] : memref<512x768xf32, #tpu.memory_space<vmem>>, vector<512x768xf32>
    %sub3A = arith.subf %add3A_48, %get3A_53 : vector<512x768xf32>
    %mul3A = arith.mulf %sub3A, %sub3A : vector<512x768xf32>
    %reduce_sum3A = vector.shape_cast %mul3A : vector<512x768xf32> to vector<1x512x768xf32>
    %reduce_sum3A_54 = arith.constant dense<0.000000e+00> : vector<1xf32>
    %reduce_sum3A_55 = vector.multi_reduction <add>, %reduce_sum3A, %reduce_sum3A_54 [1, 2] : vector<1x512x768xf32> to vector<1xf32>
    %reduce_sum3A_56 = vector.shape_cast %reduce_sum3A_55 : vector<1xf32> to vector<1x1x1xf32>
    %reduce_sum3A_57 = vector.extract %reduce_sum3A_56[0, 0, 0] : f32 from vector<1x1x1xf32>
    %broadcast_in_dim3A_58 = vector.broadcast %reduce_sum3A_57 : f32 to vector<128xf32>
    %swap3A_59 = arith.constant 0 : index
    %swap3A_60 = arith.constant 0 : index
    %swap3A_61 = arith.constant 0 : index
    %swap3A_62 = vector.load %arg11[%swap3A_59, %swap3A_60, %swap3A_61] : memref<1x1x128xf32, #tpu.memory_space<vmem>>, vector<1x1x128xf32>
    %swap3A_63 = vector.shape_cast %swap3A_62 : vector<1x1x128xf32> to vector<128xf32>
    %swap3A_64 = vector.shape_cast %broadcast_in_dim3A_58 : vector<128xf32> to vector<1x1x128xf32>
    tpu.vector_store %arg11[%swap3A_59, %swap3A_60, %swap3A_61], %swap3A_64 {strides = array<i32>} : memref<1x1x128xf32, #tpu.memory_space<vmem>>, vector<1x1x128xf32>,
    return
  }
  func.func @transform_0(%arg0: i32) -> (i32, i32) {
    %c0_i32 = arith.constant 0 : i32
    %c0_i32_0 = arith.constant 0 : i32
    return %arg0, %c0_i32 : i32, i32
  }
  func.func @transform_1(%arg0: i32) -> (i32, i32, i32) {
    %c0_i32 = arith.constant 0 : i32
    %c0_i32_0 = arith.constant 0 : i32
    %c0_i32_1 = arith.constant 0 : i32
    return %arg0, %c0_i32, %c0_i32_0 : i32, i32, i32
  }
  func.func @transform_2(%arg0: i32) -> (i32, i32) {
    %c0_i32 = arith.constant 0 : i32
    %c0_i32_0 = arith.constant 0 : i32
    return %arg0, %c0_i32 : i32, i32
  }
  func.func @transform_3(%arg0: i32) -> (i32, i32) {
    %c0_i32 = arith.constant 0 : i32
    %c0_i32_0 = arith.constant 0 : i32
    %c0_i32_1 = arith.constant 0 : i32
    return %c0_i32, %c0_i32_0 : i32, i32
  }
  func.func @transform_4(%arg0: i32) -> (i32, i32) {
    %c0_i32 = arith.constant 0 : i32
    %c0_i32_0 = arith.constant 0 : i32
    %c0_i32_1 = arith.constant 0 : i32
    return %c0_i32, %c0_i32_0 : i32, i32
  }
  func.func @transform_5(%arg0: i32) -> (i32, i32) {
    %c0_i32 = arith.constant 0 : i32
    %c0_i32_0 = arith.constant 0 : i32
    %c0_i32_1 = arith.constant 0 : i32
    return %c0_i32, %c0_i32_0 : i32, i32
  }
  func.func @transform_6(%arg0: i32) -> (i32, i32) {
    %c0_i32 = arith.constant 0 : i32
    %c0_i32_0 = arith.constant 0 : i32
    %c0_i32_1 = arith.constant 0 : i32
    return %c0_i32, %c0_i32_0 : i32, i32
  }
  func.func @transform_7(%arg0: i32) -> (i32, i32) {
    %c0_i32 = arith.constant 0 : i32
    %c0_i32_0 = arith.constant 0 : i32
    %c0_i32_1 = arith.constant 0 : i32
    return %c0_i32, %c0_i32_0 : i32, i32
  }
  func.func @transform_8(%arg0: i32) -> (i32, i32) {
    %c0_i32 = arith.constant 0 : i32
    %c0_i32_0 = arith.constant 0 : i32
    %c0_i32_1 = arith.constant 0 : i32
    return %c0_i32, %c0_i32_0 : i32, i32
  }
  func.func @transform_9(%arg0: i32) -> (i32, i32) {
    %c0_i32 = arith.constant 0 : i32
    %c0_i32_0 = arith.constant 0 : i32
    return %arg0, %c0_i32 : i32, i32
  }
  func.func @transform_10(%arg0: i32) -> (i32, i32, i32) {
    %c0_i32 = arith.constant 0 : i32
    %c0_i32_0 = arith.constant 0 : i32
    %c0_i32_1 = arith.constant 0 : i32
    return %arg0, %c0_i32, %c0_i32_0 : i32, i32, i32
  }
}

</mosaic_0001>

<sc_bundles>
// kernel: kernel.6.cloned.1.call-start
scs
__scs_entry_jumppad:
0x0: {  	(pc) =	sbr.rel $0x88, $3  }
0x1: {  	(tag) =	ssettag $0x0;
	lr =	simm.s32 $0x1  }
0x2: {  	[smem:$0x3F93] =	sst lr;
	_ =	strace $0xD0000000  }
0x3: {  	_ = 	snop  }
0x4: {  	_ = 	snop  }
0x5: {  	_ = 	snop  }
0x6: {  	_ = 	snop  }
0x7: {  	_ = 	snop  }
__scs_overlays_trampoline_lowered:
0x8: {  	[smem:$0x3FA2] =	sst s0  }
0x9: {  	[smem:$0x3FA3] =	sst s1  }
0xa: {  	[smem:$0x3FA4] =	sst s2  }
0xb: {  	[smem:$0x3FA5] =	sst s3  }
0xc: {  	[smem:$0x3FA6] =	sst s4  }
0xd: {  	[smem:$0x3FA7] =	sst s5  }
0xe: {  	[smem:$0x3FA8] =	sst s6  }
0xf: {  	[smem:$0x3FA9] =	sst s7  }
0x10: {  	[smem:$0x3FAA] =	sst s8  }
0x11: {  	[smem:$0x3FAB] =	sst s9;
	s0 =	simm.s32 @!p0 $0x0  }
0x12: {  	s1 =	sld [smem:$0x3F91];
	s0 =	simm.s32 @p0 $0x1  }
0x13: {  	[smem:$0x3FAC] =	sst s0;
	s0 =	simm.s32 @!p1 $0x0  }
0x14: {  	s2 =	sld [smem:$0x3F90];
	s0 =	simm.s32 @p1 $0x1  }
0x15: {  	[smem:$0x3FAD] =	sst s0;
	s0 =	simm.s32 @!p2 $0x0  }
0x16: {  	s3 =	sld [smem:$0x3FDB];
	s0 =	simm.s32 @p2 $0x1  }
0x17: {  	s4 =	simm.s32 $0x1BF5;
	[smem:$0x3FAF] =	sst s0  }
0x18: {  	s0 =	sld [smem:$0x3F92];
	_ =	swait.ge [sflag:s4], $0x0  }
0x19: {  	s7 =	sld [smem:$0x3F93]  }
0x1a: {  	s8 =	sadd.s32 $0xFFFFE003, lr  }
0x1b: {  	s9 =	sadd.s32 $0xFFFFFEF7, lr;
	s5 =	simm.s32 $0xFFFFFFFF;
	p2 =	slt.u32 s8, $0xFFFFF086  }
0x1c: {  	p1 =	slt.u32 s9, $0xF7A;
	s5 =	simm.s32 @!p2 $0x0  }
0x1d: {  	s5 =	simm.s32 @p1 $0x1;
	p0 =	seq.s32 s7, s2  }
0x1e: {  	s7 =	smul.u32 @!p0 $0xF7A, s2;
	p2 =	seq.s32 @!p0 s5, $0x0  }
0x1f: {  	s9 =	smul.u32 $0xF7A, s1;
	s8 =	simm.s32 @!p0 $0x1BF5;
	p2 =	por !p2, p0  }
0x20: {  	[sflag:s8] =	ssyncset.s32 @!p0 $0xFFFFF086;
	s6 =	sadd.s32 @!p0 s3, s7;
	s7 =	simm.s32 @!p0 $0x108  }
0x21: {  	s3 =	sadd.s32 s3, s9;
	s6 =	sadd.s32 @!p0 $0x88, s6;
	s7 =	simm.s32 @p2 $0x1082  }
0x22: {  	[simem:s7], [sflag:s8] =	dma.local @!p0 [hbm:s6], $0xF7A  }
0x23: {  	s9 =	sor.u32 $0xD0000000, s2;
	s6 =	simm.s32 $0x108;
	_ =	swait.ge @!p0 [sflag:s8], $0x0  }
0x24: {  	s3 =	sadd.s32 $0x88, s3;
	s6 =	simm.s32 @!p1 $0x1082;
	[sflag:s4] =	ssyncset.s32 $0xFFFFF086  }
0x25: {  	[simem:s6], [sflag:s4] =	dma.local [hbm:s3], $0xF7A  }
0x26: {  	[smem:$0x3F93] =	sst s1;
	(tag) =	ssettag s2;
	_ =	strace s9  }
0x27: {  	s1 =	sld [smem:$0x3FA3]  }
0x28: {  	s2 =	sld [smem:$0x3FA4]  }
0x29: {  	s4 =	sld [smem:$0x3FA6]  }
0x2a: {  	p0 =	seq.s32 s5, $0x0;
	s5 =	sld [smem:$0x3FA7]  }
0x2b: {  	s6 =	sld [smem:$0x3FA8]  }
0x2c: {  	s7 =	sld [smem:$0x3FA9]  }
0x2d: {  	s3 =	simm.s32 $0x108;
	s8 =	sld [smem:$0x3FAA]  }
0x2e: {  	s3 =	simm.s32 @!p0 $0x1082;
	s9 =	sld [smem:$0x3FAB]  }
0x2f: {  	lr =	sadd.s32 s0, s3;
	s0 =	sld [smem:$0x3FA2]  }
0x30: {  	s3 =	sld [smem:$0x3FA5]  }
0x31: {  	[smem:$0x3FAE] =	sst s10  }
0x32: {  	s10 =	sld [smem:$0x3FAC];
	_ =	sdelay $0x3  }
0x33: {  	p0 =	seq.s32 s10, $0x1;
	s10 =	sld [smem:$0x3FAE];
	_ =	sdelay $0x3  }
0x34: {  	[smem:$0x3FAE] =	sst s10  }
0x35: {  	s10 =	sld [smem:$0x3FAD];
	_ =	sdelay $0x3  }
0x36: {  	p1 =	seq.s32 s10, $0x1;
	s10 =	sld [smem:$0x3FAE];
	_ =	sdelay $0x3  }
0x37: {  	[smem:$0x3FAE] =	sst s10  }
0x38: {  	s10 =	sld [smem:$0x3FAF]  }
0x39: {  	_ = 	snop;
	(pc) =	sbr.ind lr, $3  }
0x3a: {  	_ = 	snop  }
0x3b: {  	_ = 	snop  }
0x3c: {  	p2 =	seq.s32 s10, $0x1;
	s10 =	sld [smem:$0x3FAE]  }
0x3d: {  	_ =	shalt  }
0x3e: {  	_ =	shalt  }
0x3f: {  	_ =	shalt  }
0x40: {  	_ =	shalt  }
0x41: {  	_ =	shalt  }
0x42: {  	_ =	shalt  }
0x43: {  	_ =	shalt  }
0x44: {  	_ =	shalt  }
0x45: {  	_ =	shalt  }
0x46: {  	_ =	shalt  }
0x47: {  	_ =	shalt  }
0x48: {  	_ =	shalt  }
0x49: {  	_ =	shalt  }
0x4a: {  	_ =	shalt  }
0x4b: {  	_ =	shalt  }
0x4c: {  	_ =	shalt  }
0x4d: {  	_ =	shalt  }
0x4e: {  	_ =	shalt  }
0x4f: {  	_ =	shalt  }
0x50: {  	_ =	shalt  }
0x51: {  	_ =	shalt  }
0x52: {  	_ =	shalt  }
0x53: {  	_ =	shalt  }
0x54: {  	_ =	shalt  }
0x55: {  	_ =	shalt  }
0x56: {  	_ =	shalt  }
0x57: {  	_ =	shalt  }
0x58: {  	_ =	shalt  }
0x59: {  	_ =	shalt  }
0x5a: {  	_ =	shalt  }
0x5b: {  	_ =	shalt  }
0x5c: {  	_ =	shalt  }
0x5d: {  	_ =	shalt  }
0x5e: {  	_ =	shalt  }
0x5f: {  	_ =	shalt  }
0x60: {  	_ =	shalt  }
0x61: {  	_ =	shalt  }
0x62: {  	_ =	shalt  }
0x63: {  	_ =	shalt  }
0x64: {  	_ =	shalt  }
0x65: {  	_ =	shalt  }
0x66: {  	_ =	shalt  }
0x67: {  	_ =	shalt  }
0x68: {  	_ =	shalt  }
0x69: {  	_ =	shalt  }
0x6a: {  	_ =	shalt  }
0x6b: {  	_ =	shalt  }
0x6c: {  	_ =	shalt  }
0x6d: {  	_ =	shalt  }
0x6e: {  	_ =	shalt  }
0x6f: {  	_ =	shalt  }
0x70: {  	_ =	shalt  }
0x71: {  	_ =	shalt  }
0x72: {  	_ =	shalt  }
0x73: {  	_ =	shalt  }
0x74: {  	_ =	shalt  }
0x75: {  	_ =	shalt  }
0x76: {  	_ =	shalt  }
0x77: {  	_ =	shalt  }
0x78: {  	_ =	shalt  }
0x79: {  	_ =	shalt  }
0x7a: {  	_ =	shalt  }
0x7b: {  	_ =	shalt  }
0x7c: {  	_ =	shalt  }
0x7d: {  	_ =	shalt  }
0x7e: {  	_ =	shalt  }
0x7f: {  	_ =	shalt  }
0x80: {  	_ =	shalt  }
0x81: {  	_ =	shalt  }
0x82: {  	_ =	shalt  }
0x83: {  	_ =	shalt  }
0x84: {  	_ =	shalt  }
0x85: {  	_ =	shalt  }
0x86: {  	_ =	shalt  }
0x87: {  	_ =	shalt  }
.Lfunc_end0:
.L_simem_size_0:
called_computation_lowered:
.L_overlay_start_0:
0x88: {  	s2 =	sld [smem:$0x3FD9]  }
0x89: {  	s3 =	sld [smem:$0x3FFE];
	_ =	sdelay $0x1  }
0x8a: {  	s1 =	srdreg.scid  }
0x8b: {  	s0 =	sand.u32 $0x1, s1  }
0x8c: {  	s14 =	sshll.u32 s0, $0xA;
	s2 =	sadd.s32 s3, s2  }
0x8d: {  	s2 =	sadd.s32 s2, s14  }
0x8e: {  	[smem:$0x3FBA] =	sst s2  }
0x8f: {  	_ = 	snop  }
0x90: {  	s2 =	sld [smem:$0x3FD0];
	_ =	sdelay $0x2  }
0x91: {  	s4 =	simm.s32 $0xA;
	s5 =	simm.s32 $0x10;
	s15 =	sld [smem:$0x3FBC]  }
0x92: {  	[smem:s5], [sflag:s4] =	dma.local [hbm:s2], $0x1  }
0x93: {  	_ =	swait.eq [sflag:s4], $0x1  }
0x94: {  	[sflag:s4] =	ssyncset.done $0x0  }
0x95: {  	[sflag:s4] =	ssyncadd.s32 $0xFFFFFFFF  }
0x96: {  	s16 =	sld [smem:$0x13];
	(tm) =	ssettm $0x1  }
0x97: {  	s17 =	sld [smem:$0x3FFB];
	_ =	sdelay $0x3  }
0x98: {  	_ =	strace s17  }
0x99: {  	s4 =	sld [smem:$0x3FFC];
	_ =	sdelay $0x3  }
0x9a: {  	_ =	strace s4  }
0x9b: {  	s4 =	sld [smem:$0x3FFD];
	_ =	sdelay $0x3  }
0x9c: {  	_ =	strace s4  }
0x9d: {  	_ =	strace $0x8FFFFFFF  }
0x9e: {  	s18 =	sld [smem:$0x3FDB];
	_ =	sdelay $0x1  }
0x9f: {  	s19 =	simm.s32 $_scs_section_size  }
0xa0: {  	s6 =	simm.s32 $_size__tile_overlayer_lowered;
	s7 =	simm.s32 $_tile_overlayer_lowered  }
0xa1: {  	s22 =	simm.s32 $0x1BFF;
	s21 =	sshll.u32 s7, $0x1;
	s4 =	sadd.s32 s19, s18  }
0xa2: {  	s8 =	simm.s32 $0x0;
	s20 =	sshll.u32 s6, $0x1;
	s6 =	sadd.s32 s21, s4  }
0xa3: {  	[timem:s8], [sflag:s22] =	dma.local [hbm:s6], s20  }
0xa4: {  	_ =	swait.ge [sflag:s22], s20  }
0xa5: {  	s5 =	ssub.s32 $0x0, s20;
	[sflag:s22] =	ssyncset.done $0x0  }
0xa6: {  	[sflag:s22] =	ssyncadd.s32 s5;
	_ =	sdelay $0x1  }
0xa7: {  	s23 =	simm.s32 $0x1B8B  }
0xa8: {  	_ =	swait.ge [sflag:s23], $0x1  }
0xa9: {  	[sflag:s23] =	ssyncset.done $0x0  }
0xaa: {  	s25 =	simm.s32 $0x1B8E;
	s24 =	sld [smem:$0x3FFE];
	[sflag:s23] =	ssyncadd.s32 $0xFFFFFFFF  }
0xab: {  	s26 =	simm.s32 $execute0_lowered;
	[smem:$0x3FD2] =	sst s25  }
0xac: {  	s6 =	sshll.u32 s26, $0x1;
	_ =	strace $0x80000046;
	[dreg:$0x1] =	wrdreg $0xFFFFFFFF  }
0xad: {  	s28 =	simm.s32 $_size_execute0_lowered;
	s4 =	sadd.s32 s4, s6;
	[dreg:$0x0] =	wrdreg $0x0  }
0xae: {  	s6 =	sshll.u32 s28, $0x1;
	[dreg:$0x2] =	wrdreg s4  }
0xaf: {  	[dreg:$0x3] =	wrdreg s6  }
0xb0: {  	[dreg:$0x4] =	wrdreg $0xC0  }
0xb1: {  	_ =	task [dreg:s8], $0x5FFFF  }
0xb2: {  	[dreg:$0x1] =	wrdreg $0xFFFFFFFF  }
0xb3: {  	[dreg:$0x0] =	wrdreg $0x60  }
0xb4: {  	[dreg:$0x2] =	wrdreg s15  }
0xb5: {  	[dreg:$0x3] =	wrdreg s24  }
0xb6: {  	[dreg:$0x4] =	wrdreg s16  }
0xb7: {  	[dreg:$0x5] =	wrdreg $0x9  }
0xb8: {  	_ =	task.clear_ibuf [dreg:s8], $0x6FFFF;
	_ =	strace $0x90000046  }
0xb9: {  	s29 =	simm.s32 $0x9;
	_ =	strace $0x80000048  }
0xba: {  	_ =	swait.ge [sflag:s29], $0x1  }
0xbb: {  	[sflag:s29] =	ssyncadd.s32 $0xFFFFFFFF  }
0xbc: {  	_ =	strace $0x90000048  }
0xbd: {  	_ =	sfence  }
0xbe: {  	s30 =	sld [smem:$0x0];
	_ =	sdelay $0x2  }
0xbf: {  	s31 =	sshll.u32 s1, $0xD;
	s1 =	sshrl.u32 s1, $0x2  }
0xc0: {  	s3 =	sand.u32 $0x4000, s31;
	s1 =	sadd.s32 s1, s30  }
0xc1: {  	s0 =	sor.u32 s3, s0;
	s1 =	sshll.u32 s1, $0x11  }
0xc2: {  	s0 =	sor.u32 s1, s0  }
0xc3: {  	s0 =	sadd.s32 $0x8F2B, s0  }
0xc4: {  	[sflag:s0] =	ssyncadd.remote.s32 $0x1  }
0xc5: {  	_ =	sfence.sel $0xFFFF  }
0xc6: {  	[dreg:$0x0] =	wrdreg $0xFFFFFFFF;
	(pc) =	sbr.abs _section_cstart, $3  }
0xc7: {  	[dreg:$0x1] =	wrdreg $0xFFFFFFFF  }
0xc8: {  	_ =	task.clear_ibuf [dreg:s8], $0x2FFFF;
	_ =	strace $0x9FFFFFFF  }
0xc9: {  	(tm) =	ssettm $0x7FFFFFFF  }
tec
execute0_lowered:
.L_overlay_start_1:
0x0: {  	(tag) =	ssettag $0x1  }
0x1: {  	s1 =	rddreg [dreg:$0x0]  }
0x2: {  	s2 =	srdreg.scid;
	s4 =	rddreg [dreg:$0x1]  }
0x3: {  	s0 =	stileid.u32;
	s6 =	rddreg [dreg:$0x2];
	s19 =	simm.s32 $0x900  }
0x4: {  	s20 =	simm.s32 $0x1100;
	s21 =	simm.s32 $0x1900;
	s23 =	simm.s32 $0x2100  }
0x5: {  	s24 =	simm.s32 $0x2900;
	s25 =	simm.s32 $0x3100;
	s26 =	simm.s32 $0x3900  }
0x6: {  	s8 =	simm.s32 $0x4900;
	s9 =	simm.s32 $0x5100;
	s10 =	simm.s32 $0x5900  }
0x7: {  	s11 =	simm.s32 $0x6100;
	s12 =	simm.s32 $0x6900;
	s13 =	simm.s32 $0x7100  }
0x8: {  	s14 =	simm.s32 $0x7900;
	s15 =	simm.s32 $0x8100;
	s2 =	sand.u32 $0x1, s2  }
0x9: {  	s16 =	simm.s32 $0x8900;
	s3 =	sshll.u32 s0, $0x9;
	s5 =	sshll.u32 s2, $0x8  }
0xa: {  	s17 =	simm.s32 $0x9100;
	s5 =	sor.u32 s5, s3;
	s3 =	simm.s32 $0x0  }
0xb: {  	s28 =	simm.s32 $0xE100;
	s29 =	simm.s32 $0xE900;
	[smem:$0x7FF] =	sst s3  }
0xc: {  	s30 =	simm.s32 $0xF100;
	_ =	strace $0x80000047;
	[dreg:$0x6] =	wrdreg s19  }
0xd: {  	s31 =	simm.s32 $0xF900;
	s2 =	ssub.s32 $0x2, s2;
	[dreg:$0x7] =	wrdreg s20  }
0xe: {  	s22 =	sshrl.u32 s2, $0x1;
	s7 =	sshrl.u32 s5, $0x3;
	[dreg:$0x8] =	wrdreg s21  }
0xf: {  	s5 =	sshll.u32 s5, $0x5;
	s2 =	ssub.s32 s2, s22;
	[dreg:$0x9] =	wrdreg s23  }
0x10: {  	s22 =	simm.s32 $0xB900;
	s4 =	sadd.s32 s7, s4;
	[dreg:$0xa] =	wrdreg s24  }
0x11: {  	s18 =	sadd.s32 s6, s5;
	s5 =	simm.s32 $0x2;
	[dreg:$0xb] =	wrdreg s25  }
0x12: {  	s6 =	simm.s32 $0x100;
	[dreg:$0xc] =	wrdreg s26;
	s19 =	simm.s32 $0xA100  }
0x13: {  	s20 =	simm.s32 $0xA900;
	s21 =	simm.s32 $0xB100;
	s23 =	simm.s32 $0xC100  }
0x14: {  	v2 =	vlaneseq.u32;
	s24 =	simm.s32 $0xC900;
	s25 =	simm.s32 $0xD100;
	s26 =	simm.s32 $0xD900  }
0x15: {  	vm0 =	vmmov $0xffff;
	v1 =	vshrl.u32 v2, $0x3;
	s4 =	sadd.s32 $0x3A00, s4;
	[dreg:$0x5] =	wrdreg s18;
	s18 =	simm.s32 $0x9900  }
0x16: {  	v0 =	vand.u32 $0x7, v2;
	v2 =	vor.u32 $0x8, v2;
	v1 =	vmul.u32 $0x8, v1;
	[dreg:$0x4] =	wrdreg s4;
	s4 =	smax.u32 s2, $0x1;
	s2 =	simm.s32 $0x1  }
.LBB2_1:
0x17: {  	s0 =	rddreg [dreg:$0x4]  }
0x18: {  	[tilespmem:s3], [sflag:$0x2] =	stream.linear.gather [hbm4b:s0+s3], $0x100, $0x38;
	[tilespmem:$0x10100] =	vst v63  }
0x19: {  	_ =	swait.ge [sflag:s5], $0x100  }
0x1a: {  	[sflag:s5] =	ssyncset.done $0x0  }
0x1b: {  	[sflag:s5] =	ssyncadd.s32 $0xFFFFFF00  }
0x1c: {  	v3 =	vld [tilespmem:$0x0];
	_ =	sdelay $0x4  }
0x1d: {  	v4 =	vshll.u32 v3, $0x1  }
0x1e: {  	v3 =	vand.u32 $0x7, v3;
	v4 =	vand.u32 $0xFFFFFFF0, v4  }
0x1f: {  	v3 =	vor.u32 v3, v4  }
0x20: {  	v4 =	vperm.xlane v3, v0;
	_ =	sdelay $0x1  }
0x21: {  	v3 =	vperm.xlane v3, v2;
	v4 =	vadd.s32 v1, v4;
	_ =	sdelay $0x1  }
0x22: {  	v3 =	vadd.s32 v1, v3;
	_ =	sdelay $0x2  }
0x23: {  	[tilespmem:s6], [sflag:$0x1] =	stream.indirect_vreg.gather [hbm4b:s1+s3], $0x80, v4, vm0, $0xb8;
	[tilespmem:$0x10100] =	vst v63  }
0x24: {  	s7 =	rddreg [dreg:$0x6]  }
0x25: {  	[tilespmem:s7], [sflag:$0x1] =	stream.indirect_vreg.gather [hbm4b:s1+s3], $0x80, v3, vm0, $0xb8;
	[tilespmem:$0x10100] =	vst v63  }
0x26: {  	v3 =	vld [tilespmem:$0x10];
	_ =	sdelay $0x4  }
0x27: {  	v49 =	vshll.u32 v3, $0x1  }
0x28: {  	v3 =	vand.u32 $0x7, v3;
	v4 =	vand.u32 $0xFFFFFFF0, v49  }
0x29: {  	v3 =	vor.u32 v3, v4  }
0x2a: {  	v4 =	vperm.xlane v3, v0;
	_ =	sdelay $0x1  }
0x2b: {  	v3 =	vperm.xlane v3, v2;
	v4 =	vadd.s32 v1, v4;
	_ =	sdelay $0x1  }
0x2c: {  	v3 =	vadd.s32 v1, v3;
	_ =	sdelay $0x1  }
0x2d: {  	s0 =	rddreg [dreg:$0x7]  }
0x2e: {  	[tilespmem:s0], [sflag:$0x1] =	stream.indirect_vreg.gather [hbm4b:s1+s3], $0x80, v4, vm0, $0xb8;
	[tilespmem:$0x10100] =	vst v63  }
0x2f: {  	s7 =	rddreg [dreg:$0x8]  }
0x30: {  	[tilespmem:s7], [sflag:$0x1] =	stream.indirect_vreg.gather [hbm4b:s1+s3], $0x80, v3, vm0, $0xb8;
	[tilespmem:$0x10100] =	vst v63  }
0x31: {  	v3 =	vld [tilespmem:$0x20];
	_ =	sdelay $0x4  }
0x32: {  	v50 =	vshll.u32 v3, $0x1  }
0x33: {  	v3 =	vand.u32 $0x7, v3;
	v4 =	vand.u32 $0xFFFFFFF0, v50  }
0x34: {  	v3 =	vor.u32 v3, v4  }
0x35: {  	v4 =	vperm.xlane v3, v0;
	_ =	sdelay $0x1  }
0x36: {  	v3 =	vperm.xlane v3, v2;
	v4 =	vadd.s32 v1, v4;
	_ =	sdelay $0x1  }
0x37: {  	v3 =	vadd.s32 v1, v3;
	_ =	sdelay $0x1  }
0x38: {  	s0 =	rddreg [dreg:$0x9]  }
0x39: {  	[tilespmem:s0], [sflag:$0x1] =	stream.indirect_vreg.gather [hbm4b:s1+s3], $0x80, v4, vm0, $0xb8;
	[tilespmem:$0x10100] =	vst v63  }
0x3a: {  	s7 =	rddreg [dreg:$0xa]  }
0x3b: {  	[tilespmem:s7], [sflag:$0x1] =	stream.indirect_vreg.gather [hbm4b:s1+s3], $0x80, v3, vm0, $0xb8;
	[tilespmem:$0x10100] =	vst v63  }
0x3c: {  	v3 =	vld [tilespmem:$0x30];
	_ =	sdelay $0x4  }
0x3d: {  	v51 =	vshll.u32 v3, $0x1  }
0x3e: {  	v3 =	vand.u32 $0x7, v3;
	v4 =	vand.u32 $0xFFFFFFF0, v51  }
0x3f: {  	v3 =	vor.u32 v3, v4  }
0x40: {  	v4 =	vperm.xlane v3, v0;
	_ =	sdelay $0x1  }
0x41: {  	v3 =	vperm.xlane v3, v2;
	v4 =	vadd.s32 v1, v4;
	_ =	sdelay $0x1  }
0x42: {  	v3 =	vadd.s32 v1, v3;
	_ =	sdelay $0x1  }
0x43: {  	s0 =	rddreg [dreg:$0xb]  }
0x44: {  	[tilespmem:s0], [sflag:$0x1] =	stream.indirect_vreg.gather [hbm4b:s1+s3], $0x80, v4, vm0, $0xb8;
	[tilespmem:$0x10100] =	vst v63  }
0x45: {  	s7 =	rddreg [dreg:$0xc]  }
0x46: {  	[tilespmem:s7], [sflag:$0x1] =	stream.indirect_vreg.gather [hbm4b:s1+s3], $0x80, v3, vm0, $0xb8;
	[tilespmem:$0x10100] =	vst v63  }
0x47: {  	v3 =	vld [tilespmem:$0x40];
	_ =	sdelay $0x4  }
0x48: {  	v52 =	vshll.u32 v3, $0x1  }
0x49: {  	v3 =	vand.u32 $0x7, v3;
	v4 =	vand.u32 $0xFFFFFFF0, v52  }
0x4a: {  	v3 =	vor.u32 v3, v4  }
0x4b: {  	v4 =	vperm.xlane v3, v0;
	_ =	sdelay $0x1  }
0x4c: {  	v3 =	vperm.xlane v3, v2;
	v4 =	vadd.s32 v1, v4;
	_ =	sdelay $0x1  }
0x4d: {  	v3 =	vadd.s32 v1, v3;
	_ =	sdelay $0x1  }
0x4e: {  	s7 =	simm.s32 $0x4100  }
0x4f: {  	[tilespmem:s7], [sflag:$0x1] =	stream.indirect_vreg.gather [hbm4b:s1+s3], $0x80, v4, vm0, $0xb8;
	[tilespmem:$0x10100] =	vst v63  }
0x50: {  	_ = 	snop  }
0x51: {  	[tilespmem:s8], [sflag:$0x1] =	stream.indirect_vreg.gather [hbm4b:s1+s3], $0x80, v3, vm0, $0xb8;
	[tilespmem:$0x10100] =	vst v63  }
0x52: {  	v3 =	vld [tilespmem:$0x50];
	_ =	sdelay $0x4  }
0x53: {  	v53 =	vshll.u32 v3, $0x1  }
0x54: {  	v3 =	vand.u32 $0x7, v3;
	v4 =	vand.u32 $0xFFFFFFF0, v53  }
0x55: {  	v3 =	vor.u32 v3, v4  }
0x56: {  	v4 =	vperm.xlane v3, v0;
	_ =	sdelay $0x1  }
0x57: {  	v3 =	vperm.xlane v3, v2;
	v4 =	vadd.s32 v1, v4;
	_ =	sdelay $0x1  }
0x58: {  	v3 =	vadd.s32 v1, v3;
	_ =	sdelay $0x2  }
0x59: {  	[tilespmem:s9], [sflag:$0x1] =	stream.indirect_vreg.gather [hbm4b:s1+s3], $0x80, v4, vm0, $0xb8;
	[tilespmem:$0x10100] =	vst v63  }
0x5a: {  	_ = 	snop  }
0x5b: {  	[tilespmem:s10], [sflag:$0x1] =	stream.indirect_vreg.gather [hbm4b:s1+s3], $0x80, v3, vm0, $0xb8;
	[tilespmem:$0x10100] =	vst v63  }
0x5c: {  	v3 =	vld [tilespmem:$0x60];
	_ =	sdelay $0x4  }
0x5d: {  	v54 =	vshll.u32 v3, $0x1  }
0x5e: {  	v3 =	vand.u32 $0x7, v3;
	v4 =	vand.u32 $0xFFFFFFF0, v54  }
0x5f: {  	v3 =	vor.u32 v3, v4  }
0x60: {  	v4 =	vperm.xlane v3, v0;
	_ =	sdelay $0x1  }
0x61: {  	v3 =	vperm.xlane v3, v2;
	v4 =	vadd.s32 v1, v4;
	_ =	sdelay $0x1  }
0x62: {  	v3 =	vadd.s32 v1, v3;
	_ =	sdelay $0x2  }
0x63: {  	[tilespmem:s11], [sflag:$0x1] =	stream.indirect_vreg.gather [hbm4b:s1+s3], $0x80, v4, vm0, $0xb8;
	[tilespmem:$0x10100] =	vst v63  }
0x64: {  	_ = 	snop  }
0x65: {  	[tilespmem:s12], [sflag:$0x1] =	stream.indirect_vreg.gather [hbm4b:s1+s3], $0x80, v3, vm0, $0xb8;
	[tilespmem:$0x10100] =	vst v63  }
0x66: {  	v3 =	vld [tilespmem:$0x70];
	_ =	sdelay $0x4  }
0x67: {  	v55 =	vshll.u32 v3, $0x1  }
0x68: {  	v3 =	vand.u32 $0x7, v3;
	v4 =	vand.u32 $0xFFFFFFF0, v55  }
0x69: {  	v3 =	vor.u32 v3, v4  }
0x6a: {  	v4 =	vperm.xlane v3, v0;
	_ =	sdelay $0x1  }
0x6b: {  	v3 =	vperm.xlane v3, v2;
	v4 =	vadd.s32 v1, v4;
	_ =	sdelay $0x1  }
0x6c: {  	v3 =	vadd.s32 v1, v3;
	_ =	sdelay $0x2  }
0x6d: {  	[tilespmem:s13], [sflag:$0x1] =	stream.indirect_vreg.gather [hbm4b:s1+s3], $0x80, v4, vm0, $0xb8;
	[tilespmem:$0x10100] =	vst v63  }
0x6e: {  	_ = 	snop  }
0x6f: {  	[tilespmem:s14], [sflag:$0x1] =	stream.indirect_vreg.gather [hbm4b:s1+s3], $0x80, v3, vm0, $0xb8;
	[tilespmem:$0x10100] =	vst v63  }
0x70: {  	v3 =	vld [tilespmem:$0x80];
	_ =	sdelay $0x4  }
0x71: {  	v56 =	vshll.u32 v3, $0x1  }
0x72: {  	v3 =	vand.u32 $0x7, v3;
	v4 =	vand.u32 $0xFFFFFFF0, v56  }
0x73: {  	v3 =	vor.u32 v3, v4  }
0x74: {  	v4 =	vperm.xlane v3, v0;
	_ =	sdelay $0x1  }
0x75: {  	v3 =	vperm.xlane v3, v2;
	v4 =	vadd.s32 v1, v4;
	_ =	sdelay $0x1  }
0x76: {  	v3 =	vadd.s32 v1, v3;
	_ =	sdelay $0x2  }
0x77: {  	[tilespmem:s15], [sflag:$0x1] =	stream.indirect_vreg.gather [hbm4b:s1+s3], $0x80, v4, vm0, $0xb8;
	[tilespmem:$0x10100] =	vst v63  }
0x78: {  	_ = 	snop  }
0x79: {  	[tilespmem:s16], [sflag:$0x1] =	stream.indirect_vreg.gather [hbm4b:s1+s3], $0x80, v3, vm0, $0xb8;
	[tilespmem:$0x10100] =	vst v63  }
0x7a: {  	v3 =	vld [tilespmem:$0x90];
	_ =	sdelay $0x4  }
0x7b: {  	v57 =	vshll.u32 v3, $0x1  }
0x7c: {  	v3 =	vand.u32 $0x7, v3;
	v4 =	vand.u32 $0xFFFFFFF0, v57  }
0x7d: {  	v3 =	vor.u32 v3, v4  }
0x7e: {  	v4 =	vperm.xlane v3, v0;
	_ =	sdelay $0x1  }
0x7f: {  	v3 =	vperm.xlane v3, v2;
	v4 =	vadd.s32 v1, v4;
	_ =	sdelay $0x1  }
0x80: {  	v3 =	vadd.s32 v1, v3;
	_ =	sdelay $0x2  }
0x81: {  	[tilespmem:s17], [sflag:$0x1] =	stream.indirect_vreg.gather [hbm4b:s1+s3], $0x80, v4, vm0, $0xb8;
	[tilespmem:$0x10100] =	vst v63  }
0x82: {  	_ = 	snop  }
0x83: {  	[tilespmem:s18], [sflag:$0x1] =	stream.indirect_vreg.gather [hbm4b:s1+s3], $0x80, v3, vm0, $0xb8;
	[tilespmem:$0x10100] =	vst v63  }
0x84: {  	v3 =	vld [tilespmem:$0xA0];
	_ =	sdelay $0x4  }
0x85: {  	v58 =	vshll.u32 v3, $0x1  }
0x86: {  	v3 =	vand.u32 $0x7, v3;
	v4 =	vand.u32 $0xFFFFFFF0, v58  }
0x87: {  	v3 =	vor.u32 v3, v4  }
0x88: {  	v4 =	vperm.xlane v3, v0;
	_ =	sdelay $0x1  }
0x89: {  	v3 =	vperm.xlane v3, v2;
	v4 =	vadd.s32 v1, v4;
	_ =	sdelay $0x1  }
0x8a: {  	v3 =	vadd.s32 v1, v3;
	_ =	sdelay $0x2  }
0x8b: {  	[tilespmem:s19], [sflag:$0x1] =	stream.indirect_vreg.gather [hbm4b:s1+s3], $0x80, v4, vm0, $0xb8;
	[tilespmem:$0x10100] =	vst v63  }
0x8c: {  	_ = 	snop  }
0x8d: {  	[tilespmem:s20], [sflag:$0x1] =	stream.indirect_vreg.gather [hbm4b:s1+s3], $0x80, v3, vm0, $0xb8;
	[tilespmem:$0x10100] =	vst v63  }
0x8e: {  	v3 =	vld [tilespmem:$0xB0];
	_ =	sdelay $0x4  }
0x8f: {  	v59 =	vshll.u32 v3, $0x1  }
0x90: {  	v3 =	vand.u32 $0x7, v3;
	v4 =	vand.u32 $0xFFFFFFF0, v59  }
0x91: {  	v3 =	vor.u32 v3, v4  }
0x92: {  	v4 =	vperm.xlane v3, v0;
	_ =	sdelay $0x1  }
0x93: {  	v3 =	vperm.xlane v3, v2;
	v4 =	vadd.s32 v1, v4;
	_ =	sdelay $0x1  }
0x94: {  	v3 =	vadd.s32 v1, v3;
	_ =	sdelay $0x2  }
0x95: {  	[tilespmem:s21], [sflag:$0x1] =	stream.indirect_vreg.gather [hbm4b:s1+s3], $0x80, v4, vm0, $0xb8;
	[tilespmem:$0x10100] =	vst v63  }
0x96: {  	_ = 	snop  }
0x97: {  	[tilespmem:s22], [sflag:$0x1] =	stream.indirect_vreg.gather [hbm4b:s1+s3], $0x80, v3, vm0, $0xb8;
	[tilespmem:$0x10100] =	vst v63  }
0x98: {  	v3 =	vld [tilespmem:$0xC0];
	_ =	sdelay $0x4  }
0x99: {  	v60 =	vshll.u32 v3, $0x1  }
0x9a: {  	v3 =	vand.u32 $0x7, v3;
	v4 =	vand.u32 $0xFFFFFFF0, v60  }
0x9b: {  	v3 =	vor.u32 v3, v4  }
0x9c: {  	v4 =	vperm.xlane v3, v0;
	_ =	sdelay $0x1  }
0x9d: {  	v3 =	vperm.xlane v3, v2;
	v4 =	vadd.s32 v1, v4;
	_ =	sdelay $0x1  }
0x9e: {  	v3 =	vadd.s32 v1, v3;
	_ =	sdelay $0x2  }
0x9f: {  	[tilespmem:s23], [sflag:$0x1] =	stream.indirect_vreg.gather [hbm4b:s1+s3], $0x80, v4, vm0, $0xb8;
	[tilespmem:$0x10100] =	vst v63  }
0xa0: {  	_ = 	snop  }
0xa1: {  	[tilespmem:s24], [sflag:$0x1] =	stream.indirect_vreg.gather [hbm4b:s1+s3], $0x80, v3, vm0, $0xb8;
	[tilespmem:$0x10100] =	vst v63  }
0xa2: {  	v3 =	vld [tilespmem:$0xD0];
	_ =	sdelay $0x4  }
0xa3: {  	v61 =	vshll.u32 v3, $0x1  }
0xa4: {  	v3 =	vand.u32 $0x7, v3;
	v4 =	vand.u32 $0xFFFFFFF0, v61  }
0xa5: {  	v3 =	vor.u32 v3, v4  }
0xa6: {  	v4 =	vperm.xlane v3, v0;
	_ =	sdelay $0x1  }
0xa7: {  	v3 =	vperm.xlane v3, v2;
	v4 =	vadd.s32 v1, v4;
	_ =	sdelay $0x1  }
0xa8: {  	v3 =	vadd.s32 v1, v3;
	_ =	sdelay $0x2  }
0xa9: {  	[tilespmem:s25], [sflag:$0x1] =	stream.indirect_vreg.gather [hbm4b:s1+s3], $0x80, v4, vm0, $0xb8;
	[tilespmem:$0x10100] =	vst v63  }
0xaa: {  	_ = 	snop  }
0xab: {  	[tilespmem:s26], [sflag:$0x1] =	stream.indirect_vreg.gather [hbm4b:s1+s3], $0x80, v3, vm0, $0xb8;
	[tilespmem:$0x10100] =	vst v63  }
0xac: {  	v3 =	vld [tilespmem:$0xE0];
	_ =	sdelay $0x4  }
0xad: {  	v62 =	vshll.u32 v3, $0x1  }
0xae: {  	v3 =	vand.u32 $0x7, v3;
	v4 =	vand.u32 $0xFFFFFFF0, v62  }
0xaf: {  	v3 =	vor.u32 v3, v4  }
0xb0: {  	v4 =	vperm.xlane v3, v0;
	_ =	sdelay $0x1  }
0xb1: {  	v3 =	vperm.xlane v3, v2;
	v4 =	vadd.s32 v1, v4;
	_ =	sdelay $0x1  }
0xb2: {  	v3 =	vadd.s32 v1, v3;
	_ =	sdelay $0x2  }
0xb3: {  	[tilespmem:s28], [sflag:$0x1] =	stream.indirect_vreg.gather [hbm4b:s1+s3], $0x80, v4, vm0, $0xb8;
	[tilespmem:$0x10100] =	vst v63  }
0xb4: {  	_ = 	snop  }
0xb5: {  	[tilespmem:s29], [sflag:$0x1] =	stream.indirect_vreg.gather [hbm4b:s1+s3], $0x80, v3, vm0, $0xb8;
	[tilespmem:$0x10100] =	vst v63  }
0xb6: {  	v3 =	vld [tilespmem:$0xF0];
	_ =	sdelay $0x4  }
0xb7: {  	v63 =	vshll.u32 v3, $0x1  }
0xb8: {  	v3 =	vand.u32 $0x7, v3;
	v4 =	vand.u32 $0xFFFFFFF0, v63  }
0xb9: {  	v3 =	vor.u32 v3, v4  }
0xba: {  	v4 =	vperm.xlane v3, v0;
	_ =	sdelay $0x1  }
0xbb: {  	v3 =	vperm.xlane v3, v2;
	v4 =	vadd.s32 v1, v4;
	_ =	sdelay $0x1  }
0xbc: {  	v3 =	vadd.s32 v1, v3;
	_ =	sdelay $0x2  }
0xbd: {  	[tilespmem:s30], [sflag:$0x1] =	stream.indirect_vreg.gather [hbm4b:s1+s3], $0x80, v4, vm0, $0xb8;
	[tilespmem:$0x10100] =	vst v63  }
0xbe: {  	_ = 	snop  }
0xbf: {  	[tilespmem:s31], [sflag:$0x1] =	stream.indirect_vreg.gather [hbm4b:s1+s3], $0x80, v3, vm0, $0xb8;
	[tilespmem:$0x10100] =	vst v63  }
0xc0: {  	_ =	swait.ge [sflag:s2], $0x8000  }
0xc1: {  	[sflag:s2] =	ssyncset.done $0x0  }
0xc2: {  	[sflag:s2] =	ssyncadd.s32 $0xFFFF8000  }
0xc3: {  	_ =	swait.ge [sflag:s2], $0x8000  }
0xc4: {  	p0 =	sne.s32 s4, $0x1;
	[sflag:s2] =	ssyncset.done $0x0  }
.Ltmp0:
0xc5: {  	s7 =	rddreg [dreg:$0x5];
	[sflag:s2] =	ssyncadd.s32 $0xFFFF8000;
	(pc) =	sbr.rel @p0 .LBB2_1-.Ltmp0, $4  }
0xc6: {  	[hbm4b:s7+s3] =	stream.linear.scatter [tilespmem:s6], [sflag:$0x2], $0x10000, $0x38;
	[tilespmem:$0x10100] =	vst v63  }
0xc7: {  	_ =	swait.ge [sflag:s5], $0x10000  }
0xc8: {  	[sflag:s5] =	ssyncset.done $0x0  }
0xc9: {  	s4 =	sadd.s32 $0xFFFFFFFF, s4;
	[sflag:s5] =	ssyncadd.s32 $0xFFFF0000  }
0xca: {  	_ =	sfence.sel $0x180000  }
0xcb: {  	[bflag:$0x0] =	sbarrier.arrive $0xFFFF  }
0xcc: {  	_ =	strace $0x90000047  }
0xcd: {  	s0 =	stileid.u32;
	[bflag:$0x2] =	sbarrier.arrive $0xFFFF  }
0xce: {  	p0 =	sne.s32 s0, $0x0;
	s0 =	rddreg [dreg:$0x3]  }
0xcf: {  	s0 =	sadd.s32 @!p0 $0x100000, s0  }
0xd0: {  	[sflag:s0] =	ssyncadd.tile.s32 @!p0 $0x1;
	_ =	shalt  }
.Lfunc_end2:
_tile_overlayer_lowered:
.L_overlay_start_2:
0xd1: {  	(tag) =	ssettag $0x2  }
0xd2: {  	s0 =	rddreg [dreg:$0x0];
	s2 =	stileid.u32  }
0xd3: {  	s1 =	rddreg [dreg:$0x1];
	p0 =	sne.s32 s2, $0x0  }
0xd4: {  	s3 =	rddreg [dreg:$0x2];
	[bflag:$0x3] =	sbarrier.arrive $0xFFFF;
	s2 =	simm.s32 @!p0 $0x1C02  }
0xd5: {  	[timem:s3], [sflag:s2] =	dma.local @!p0 [hbm:s0], s1  }
0xd6: {  	s0 =	simm.s32 @!p0 $0x2  }
0xd7: {  	_ =	swait.ge @!p0 [sflag:s0], s1  }
0xd8: {  	s1 =	ssub.s32 @!p0 $0x0, s1;
	[sflag:s0] =	ssyncset.done @!p0 $0x0  }
0xd9: {  	[sflag:s0] =	ssyncadd.s32 @!p0 s1  }
0xda: {  	[bflag:$0x3] =	sbarrier.arrive $0xFFFF  }
0xdb: {  	_ =	shalt  }

</sc_bundles>
